<compile_context>
chip_gen: v7x
topology: tpu7x:2x2x1
jax: 0.10.2.dev20260603
libtpu: 0.0.44.dev20260713+nightly
codegen_flags: <defaults>
</compile_context>

<pallas_src>
import jax
import jax.numpy as jnp
from jax import lax
from jax.experimental import pallas as pl
from jax.experimental.pallas import tpu as pltpu
from jax.experimental.pallas import tpu_sc as plsc

_W = 1000.0
NC, NS, L = 2, 16, 16
NW = NC * NS
NV = 65536
VPT = NV // NS
FACES = 256 * 512
FPW = FACES // NW
BLK = 2048
NBLK = FPW // BLK
ROW_CHUNKS = 512 // L

_PARAMS = dict(
    compiler_params=pltpu.CompilerParams(
        needs_layout_passes=False, use_tc_tiling_on_sc=False),
)


def _pack_body(vx, vy, vz, fv8_hbm, cbuf, bb, sem):
  del sem
  vtabs = (vx, vy, vz)
  sid = lax.axis_index("s")

  for c in range(3):
    pltpu.sync_copy(vtabs[c].at[pl.ds(sid * VPT, VPT)],
                    cbuf.at[pl.ds(c * VPT, VPT)])

  def pack_body(j, carry):
    rows = j * L + lax.iota(jnp.int32, L)
    for c in range(3):
      x = cbuf[pl.ds(c * VPT + j * L, L)]
      plsc.store_scatter(bb, [rows, jnp.full((L,), c, jnp.int32)], x)
    return carry

  lax.fori_loop(0, VPT // L, pack_body, 0, unroll=2)
  pltpu.sync_copy(bb, fv8_hbm.at[pl.ds(sid * VPT, VPT)])


def _main_body(fv8_hbm, f0, f1, f2, padded_hbm, out_hbm,
               idxb,
               v00, v01, v02, v10, v11, v12,
               pa0, pa1, pa2, pb0, pb1, pb2, obuf, sem, semv):
  ftabs = (f0, f1, f2)
  vids = ((v00, v01, v02), (v10, v11, v12))
  pbufs = ((pa0, pa1, pa2), (pb0, pb1, pb2))
  cid = lax.axis_index("c")
  sid = lax.axis_index("s")
  wid = sid * NC + cid
  base = wid * FPW

  pltpu.sync_copy(padded_hbm.at[pl.ds(base, FPW)], idxb)
  id_copies = []
  for b in range(NBLK):
    for k in range(3):
      c = pltpu.make_async_copy(
          ftabs[k].at[idxb.at[pl.ds(b * BLK, BLK)]], vids[b][k], semv)
      c.start()
      id_copies.append(c)
  for c in id_copies:
    c.wait()

  def fire(b):
    cs = [pltpu.make_async_copy(fv8_hbm.at[vids[b][k]], pbufs[b % 2][k], sem)
          for k in range(3)]
    for c in cs:
      c.start()
    return cs

  def drain(cs):
    for c in cs:
      c.wait()

  def compute(b, loss):
    pbuf = pbufs[b % 2]

    def row_body(r, loss_acc):
      def chunk_body(j, acc):
        rows = (r * ROW_CHUNKS + j) * L + lax.iota(jnp.int32, L)
        p = []
        for k in range(3):
          p.append([
              plsc.load_gather(pbuf[k],
                               [rows, jnp.full((L,), c, jnp.int32)])
              for c in range(3)
          ])
        (x0, y0, z0), (x1, y1, z1), (x2, y2, z2) = p
        sv = (x0 * (y1 * z2 - z1 * y2)
              + y0 * (z1 * x2 - x1 * z2)
              + z0 * (x1 * y2 - y1 * x2))
        return acc + sv

      acc = lax.fori_loop(0, ROW_CHUNKS, chunk_body,
                          jnp.zeros((L,), jnp.float32), unroll=2)
      return loss_acc + jnp.abs(jnp.sum(acc))

    return lax.fori_loop(0, BLK // 512, row_body, loss)

  loss = jnp.float32(0.0)
  inflight = fire(0)
  for b in range(NBLK):
    drain(inflight)
    if b + 1 < NBLK:
      nxt = fire(b + 1)
    loss = compute(b, loss)
    if b + 1 < NBLK:
      inflight = nxt

  lane = lax.iota(jnp.int32, L)
  obuf[...] = jnp.where(lane == 0, loss * _W, jnp.float32(0.0))
  pltpu.sync_copy(obuf, out_hbm.at[wid])


@jax.jit
def kernel(final_v, ff, padded_tensor):
  fvT = final_v.T
  ffT = ff.T
  vx, vy, vz = fvT[0], fvT[1], fvT[2]
  f0, f1, f2 = ffT[0], ffT[1], ffT[2]
  padded_flat = padded_tensor.reshape(-1)
  mesh = plsc.VectorSubcoreMesh(core_axis_name="c", subcore_axis_name="s")

  fv8 = pl.kernel(
      _pack_body,
      out_type=jax.ShapeDtypeStruct((NV, 8), jnp.float32),
      mesh=mesh,
      scratch_types=[
          pltpu.VMEM((3 * VPT,), jnp.float32),
          pltpu.VMEM((VPT, 8), jnp.float32),
          pltpu.SemaphoreType.DMA,
      ],
      **_PARAMS,
  )(vx, vy, vz)

  iblk = pltpu.VMEM((BLK,), jnp.int32)
  fblk8 = pltpu.VMEM((BLK, 8), jnp.float32)
  partials = pl.kernel(
      _main_body,
      out_type=jax.ShapeDtypeStruct((NW, L), jnp.float32),
      mesh=mesh,
      scratch_types=(
          [pltpu.VMEM((FPW,), jnp.int32)]
          + [iblk] * 6 + [fblk8] * 6
          + [pltpu.VMEM((L,), jnp.float32),
             pltpu.SemaphoreType.DMA, pltpu.SemaphoreType.DMA]
      ),
      **_PARAMS,
  )(fv8, f0, f1, f2, padded_flat)
  return jnp.sum(partials)

# --- scband reference (transcript-rebuilt; emitter-appended) ---
"""Pipeline reference for scband-criterion-67954972557712 (READ-ONLY COPY).

The authoritative reference and input builder live on the scoring server;
editing this copy changes nothing except your own understanding.
"""

import jax, jax.numpy as jnp
import numpy as np

WEIGHT = 1000.0
NORM = 'l1'
AREA = False


def setup_inputs(seed: int = 0) -> dict:
    key = jax.random.key(seed)
    k1, k2, k3 = jax.random.split(key, 3)
    final_v = jax.random.normal(k1, (65536, 3), dtype=jnp.float32)
    ff = jax.random.randint(k2, (200000, 3), 0, 65536, dtype=jnp.int32)
    padded_tensor = jax.random.randint(k3, (256, 512), 0, 200000, dtype=jnp.int32)
    return {"final_v": final_v, "ff": ff, "padded_tensor": padded_tensor}


def reference(final_v, ff, padded_tensor):
    # inner_vert_ids = ff[padded_tensor] : [P, L, 3] vertex indices per inner face
    inner_vert_ids = jnp.take(ff, padded_tensor, axis=0)
    p0 = jnp.take(final_v, inner_vert_ids[:, :, 0], axis=0)  # [P, L, 3]
    p1 = jnp.take(final_v, inner_vert_ids[:, :, 1], axis=0)
    p2 = jnp.take(final_v, inner_vert_ids[:, :, 2], axis=0)
    if not AREA:
        cross12 = jnp.cross(p1, p2)  # [P, L, 3]
        signed_vol = jnp.sum(p0 * cross12, axis=(-1, -2))  # [P]
        if NORM == 'l1':
            loss = WEIGHT * jnp.sum(jnp.abs(signed_vol))
        elif NORM == 'l2':
            loss = WEIGHT * jnp.sum(jnp.square(signed_vol))
        else:
            raise ValueError(f'Unknown norm {NORM}')
    else:
        v01 = p1 - p0
        v12 = p2 - p1
        loss = jnp.sum(jnp.linalg.norm(jnp.cross(v01, v12), axis=-1))
    return loss

if __name__ == "__main__":
    import jax
    _d = setup_inputs()
    print(jax.jit(kernel)(*tuple(_d.values())))

</pallas_src>

<mosaic_0001>
#map = affine_map<(d0, d1) -> (0)>
#map1 = affine_map<(d0, d1) -> (0, 0)>
module attributes {stable_mosaic.version = 14 : i64} {
  func.func @_pack_body(%arg0: i32, %arg1: i32, %arg2: memref<65536xf32, #tpu.memory_space<hbm>>, %arg3: memref<65536xf32, #tpu.memory_space<hbm>>, %arg4: memref<65536xf32, #tpu.memory_space<hbm>>, %arg5: memref<65536x8xf32, #tpu.memory_space<hbm>>, %arg6: memref<12288xf32, #tpu.memory_space<vmem>>, %arg7: memref<4096x8xf32, #tpu.memory_space<vmem>>, %arg8: memref<!tpu.dma_semaphore, #tpu.memory_space<semaphore_mem>>) attributes {dimension_semantics = [#tpu.dimension_semantics<core_parallel>, #tpu.dimension_semantics<subcore_parallel>], iteration_bounds = array<i64: 2, 16>, scalar_prefetch = 0 : i64, scratch_operands = 3 : i64, tpu.core_type = #tpu.core_type<sc_vector_subcore>, window_params = [{transform_indices = #map}, {transform_indices = #map}, {transform_indices = #map}, {transform_indices = #map1}]} {
    %mul3A = arith.constant 4096 : i32
    %mul3A_0 = arith.muli %arg1, %mul3A : i32
    "tpu.region"() ({
      %run_scoped3A = tpu.sem_alloc : memref<!tpu.dma_semaphore, #tpu.memory_space<semaphore_mem>>
      %dma_start3A = arith.constant 0 : i32
      %dma_start3A_12 = tpu.memref_slice %arg6[%dma_start3A] : memref<12288xf32, #tpu.memory_space<vmem>> -> memref<4096xf32, #tpu.memory_space<vmem>>
      %dma_start3A_13 = tpu.memref_slice %arg2[%mul3A_0] : memref<65536xf32, #tpu.memory_space<hbm>> -> memref<4096xf32, #tpu.memory_space<hbm>>
      %dma_start3A_14 = arith.constant 0 : i32
      %dma_start3A_15 = tpu.memref_slice %arg6[%dma_start3A_14] : memref<12288xf32, #tpu.memory_space<vmem>> -> memref<4096xf32, #tpu.memory_space<vmem>>
      %dma_start3A_16 = tpu.memref_slice %arg2[%mul3A_0] : memref<65536xf32, #tpu.memory_space<hbm>> -> memref<4096xf32, #tpu.memory_space<hbm>>
      tpu.enqueue_dma source(%dma_start3A_16 : memref<4096xf32, #tpu.memory_space<hbm>>) target(%dma_start3A_15 : memref<4096xf32, #tpu.memory_space<vmem>>) target_semaphore(%run_scoped3A : memref<!tpu.dma_semaphore, #tpu.memory_space<semaphore_mem>>)
      %dma_wait3A = arith.constant 0 : i32
      %dma_wait3A_17 = tpu.memref_slice %arg6[%dma_wait3A] : memref<12288xf32, #tpu.memory_space<vmem>> -> memref<4096xf32, #tpu.memory_space<vmem>>
      %dma_wait3A_18 = tpu.memref_slice %arg2[%mul3A_0] : memref<65536xf32, #tpu.memory_space<hbm>> -> memref<4096xf32, #tpu.memory_space<hbm>>
      %dma_wait3A_19 = arith.constant 0 : i32
      %dma_wait3A_20 = tpu.memref_slice %arg6[%dma_wait3A_19] : memref<12288xf32, #tpu.memory_space<vmem>> -> memref<4096xf32, #tpu.memory_space<vmem>>
      %dma_wait3A_21 = tpu.memref_slice %arg2[%mul3A_0] : memref<65536xf32, #tpu.memory_space<hbm>> -> memref<4096xf32, #tpu.memory_space<hbm>>
      tpu.wait_dma2 semaphore(%run_scoped3A : memref<!tpu.dma_semaphore, #tpu.memory_space<semaphore_mem>>) src(%dma_wait3A_21 : memref<4096xf32, #tpu.memory_space<hbm>>) dst(%dma_wait3A_20 : memref<4096xf32, #tpu.memory_space<vmem>>)
      tpu.yield
    }) : () -> ()
    %mul3A_1 = arith.constant 4096 : i32
    %mul3A_2 = arith.muli %arg1, %mul3A_1 : i32
    "tpu.region"() ({
      %run_scoped3A = tpu.sem_alloc : memref<!tpu.dma_semaphore, #tpu.memory_space<semaphore_mem>>
      %dma_start3A = arith.constant 4096 : i32
      %dma_start3A_12 = tpu.memref_slice %arg6[%dma_start3A] : memref<12288xf32, #tpu.memory_space<vmem>> -> memref<4096xf32, #tpu.memory_space<vmem>>
      %dma_start3A_13 = tpu.memref_slice %arg3[%mul3A_2] : memref<65536xf32, #tpu.memory_space<hbm>> -> memref<4096xf32, #tpu.memory_space<hbm>>
      %dma_start3A_14 = arith.constant 4096 : i32
      %dma_start3A_15 = tpu.memref_slice %arg6[%dma_start3A_14] : memref<12288xf32, #tpu.memory_space<vmem>> -> memref<4096xf32, #tpu.memory_space<vmem>>
      %dma_start3A_16 = tpu.memref_slice %arg3[%mul3A_2] : memref<65536xf32, #tpu.memory_space<hbm>> -> memref<4096xf32, #tpu.memory_space<hbm>>
      tpu.enqueue_dma source(%dma_start3A_16 : memref<4096xf32, #tpu.memory_space<hbm>>) target(%dma_start3A_15 : memref<4096xf32, #tpu.memory_space<vmem>>) target_semaphore(%run_scoped3A : memref<!tpu.dma_semaphore, #tpu.memory_space<semaphore_mem>>)
      %dma_wait3A = arith.constant 4096 : i32
      %dma_wait3A_17 = tpu.memref_slice %arg6[%dma_wait3A] : memref<12288xf32, #tpu.memory_space<vmem>> -> memref<4096xf32, #tpu.memory_space<vmem>>
      %dma_wait3A_18 = tpu.memref_slice %arg3[%mul3A_2] : memref<65536xf32, #tpu.memory_space<hbm>> -> memref<4096xf32, #tpu.memory_space<hbm>>
      %dma_wait3A_19 = arith.constant 4096 : i32
      %dma_wait3A_20 = tpu.memref_slice %arg6[%dma_wait3A_19] : memref<12288xf32, #tpu.memory_space<vmem>> -> memref<4096xf32, #tpu.memory_space<vmem>>
      %dma_wait3A_21 = tpu.memref_slice %arg3[%mul3A_2] : memref<65536xf32, #tpu.memory_space<hbm>> -> memref<4096xf32, #tpu.memory_space<hbm>>
      tpu.wait_dma2 semaphore(%run_scoped3A : memref<!tpu.dma_semaphore, #tpu.memory_space<semaphore_mem>>) src(%dma_wait3A_21 : memref<4096xf32, #tpu.memory_space<hbm>>) dst(%dma_wait3A_20 : memref<4096xf32, #tpu.memory_space<vmem>>)
      tpu.yield
    }) : () -> ()
    %mul3A_3 = arith.constant 4096 : i32
    %mul3A_4 = arith.muli %arg1, %mul3A_3 : i32
    "tpu.region"() ({
      %run_scoped3A = tpu.sem_alloc : memref<!tpu.dma_semaphore, #tpu.memory_space<semaphore_mem>>
      %dma_start3A = arith.constant 8192 : i32
      %dma_start3A_12 = tpu.memref_slice %arg6[%dma_start3A] : memref<12288xf32, #tpu.memory_space<vmem>> -> memref<4096xf32, #tpu.memory_space<vmem>>
      %dma_start3A_13 = tpu.memref_slice %arg4[%mul3A_4] : memref<65536xf32, #tpu.memory_space<hbm>> -> memref<4096xf32, #tpu.memory_space<hbm>>
      %dma_start3A_14 = arith.constant 8192 : i32
      %dma_start3A_15 = tpu.memref_slice %arg6[%dma_start3A_14] : memref<12288xf32, #tpu.memory_space<vmem>> -> memref<4096xf32, #tpu.memory_space<vmem>>
      %dma_start3A_16 = tpu.memref_slice %arg4[%mul3A_4] : memref<65536xf32, #tpu.memory_space<hbm>> -> memref<4096xf32, #tpu.memory_space<hbm>>
      tpu.enqueue_dma source(%dma_start3A_16 : memref<4096xf32, #tpu.memory_space<hbm>>) target(%dma_start3A_15 : memref<4096xf32, #tpu.memory_space<vmem>>) target_semaphore(%run_scoped3A : memref<!tpu.dma_semaphore, #tpu.memory_space<semaphore_mem>>)
      %dma_wait3A = arith.constant 8192 : i32
      %dma_wait3A_17 = tpu.memref_slice %arg6[%dma_wait3A] : memref<12288xf32, #tpu.memory_space<vmem>> -> memref<4096xf32, #tpu.memory_space<vmem>>
      %dma_wait3A_18 = tpu.memref_slice %arg4[%mul3A_4] : memref<65536xf32, #tpu.memory_space<hbm>> -> memref<4096xf32, #tpu.memory_space<hbm>>
      %dma_wait3A_19 = arith.constant 8192 : i32
      %dma_wait3A_20 = tpu.memref_slice %arg6[%dma_wait3A_19] : memref<12288xf32, #tpu.memory_space<vmem>> -> memref<4096xf32, #tpu.memory_space<vmem>>
      %dma_wait3A_21 = tpu.memref_slice %arg4[%mul3A_4] : memref<65536xf32, #tpu.memory_space<hbm>> -> memref<4096xf32, #tpu.memory_space<hbm>>
      tpu.wait_dma2 semaphore(%run_scoped3A : memref<!tpu.dma_semaphore, #tpu.memory_space<semaphore_mem>>) src(%dma_wait3A_21 : memref<4096xf32, #tpu.memory_space<hbm>>) dst(%dma_wait3A_20 : memref<4096xf32, #tpu.memory_space<vmem>>)
      tpu.yield
    }) : () -> ()
    %scan3A = arith.constant 0 : i32
    %scan3A_5 = arith.constant 0 : i32
    %scan3A_6 = arith.constant 256 : i32
    %scan3A_7 = arith.addi %scan3A_5, %scan3A_6 : i32
    %scan3A_8 = arith.constant 2 : i32
    scf.for %scan3A_12 = %scan3A_5 to %scan3A_7 step %scan3A_8  : i32 {
      %mul3A_13 = arith.constant 16 : i32
      %mul3A_14 = arith.muli %scan3A_12, %mul3A_13 : i32
      %iota3A = tpu.iota {dimensions = array<i32: 0>} : vector<16xi32>
      %add3A = vector.broadcast %mul3A_14 : i32 to vector<16xi32>
      %add3A_15 = arith.addi %add3A, %iota3A : vector<16xi32>
      %mul3A_16 = arith.constant 16 : i32
      %mul3A_17 = arith.muli %scan3A_12, %mul3A_16 : i32
      %add3A_18 = arith.constant 0 : i32
      %add3A_19 = arith.addi %add3A_18, %mul3A_17 : i32
      %get3A = arith.index_cast %add3A_19 : i32 to index
      %get3A_20 = tpu.vector_load %arg6[%get3A] {strides = array<i32>} : memref<12288xf32, #tpu.memory_space<vmem>>, vector<16xf32>,
      %broadcast_in_dim3A = arith.constant 0 : i32
      %broadcast_in_dim3A_21 = vector.broadcast %broadcast_in_dim3A : i32 to vector<16xi32>
      tpu.vector_store_idx %arg7[%add3A_15, %broadcast_in_dim3A_21], %get3A_20 : memref<4096x8xf32, #tpu.memory_space<vmem>>[vector<16xi32>, vector<16xi32>], vector<16xf32>,
      %mul3A_22 = arith.constant 16 : i32
      %mul3A_23 = arith.muli %scan3A_12, %mul3A_22 : i32
      %add3A_24 = arith.constant 4096 : i32
      %add3A_25 = arith.addi %add3A_24, %mul3A_23 : i32
      %get3A_26 = arith.index_cast %add3A_25 : i32 to index
      %get3A_27 = tpu.vector_load %arg6[%get3A_26] {strides = array<i32>} : memref<12288xf32, #tpu.memory_space<vmem>>, vector<16xf32>,
      %broadcast_in_dim3A_28 = arith.constant 1 : i32
      %broadcast_in_dim3A_29 = vector.broadcast %broadcast_in_dim3A_28 : i32 to vector<16xi32>
      tpu.vector_store_idx %arg7[%add3A_15, %broadcast_in_dim3A_29], %get3A_27 : memref<4096x8xf32, #tpu.memory_space<vmem>>[vector<16xi32>, vector<16xi32>], vector<16xf32>,
      %mul3A_30 = arith.constant 16 : i32
      %mul3A_31 = arith.muli %scan3A_12, %mul3A_30 : i32
      %add3A_32 = arith.constant 8192 : i32
      %add3A_33 = arith.addi %add3A_32, %mul3A_31 : i32
      %get3A_34 = arith.index_cast %add3A_33 : i32 to index
      %get3A_35 = tpu.vector_load %arg6[%get3A_34] {strides = array<i32>} : memref<12288xf32, #tpu.memory_space<vmem>>, vector<16xf32>,
      %broadcast_in_dim3A_36 = arith.constant 2 : i32
      %broadcast_in_dim3A_37 = vector.broadcast %broadcast_in_dim3A_36 : i32 to vector<16xi32>
      tpu.vector_store_idx %arg7[%add3A_15, %broadcast_in_dim3A_37], %get3A_35 : memref<4096x8xf32, #tpu.memory_space<vmem>>[vector<16xi32>, vector<16xi32>], vector<16xf32>,
      %scan3A_38 = arith.constant 1 : i32
      %scan3A_39 = arith.addi %scan3A_12, %scan3A_38 : i32
      %mul3A_40 = arith.constant 16 : i32
      %mul3A_41 = arith.muli %scan3A_39, %mul3A_40 : i32
      %iota3A_42 = tpu.iota {dimensions = array<i32: 0>} : vector<16xi32>
      %add3A_43 = vector.broadcast %mul3A_41 : i32 to vector<16xi32>
      %add3A_44 = arith.addi %add3A_43, %iota3A_42 : vector<16xi32>
      %mul3A_45 = arith.constant 16 : i32
      %mul3A_46 = arith.muli %scan3A_39, %mul3A_45 : i32
      %add3A_47 = arith.constant 0 : i32
      %add3A_48 = arith.addi %add3A_47, %mul3A_46 : i32
      %get3A_49 = arith.index_cast %add3A_48 : i32 to index
      %get3A_50 = tpu.vector_load %arg6[%get3A_49] {strides = array<i32>} : memref<12288xf32, #tpu.memory_space<vmem>>, vector<16xf32>,
      %broadcast_in_dim3A_51 = arith.constant 0 : i32
      %broadcast_in_dim3A_52 = vector.broadcast %broadcast_in_dim3A_51 : i32 to vector<16xi32>
      tpu.vector_store_idx %arg7[%add3A_44, %broadcast_in_dim3A_52], %get3A_50 : memref<4096x8xf32, #tpu.memory_space<vmem>>[vector<16xi32>, vector<16xi32>], vector<16xf32>,
      %mul3A_53 = arith.constant 16 : i32
      %mul3A_54 = arith.muli %scan3A_39, %mul3A_53 : i32
      %add3A_55 = arith.constant 4096 : i32
      %add3A_56 = arith.addi %add3A_55, %mul3A_54 : i32
      %get3A_57 = arith.index_cast %add3A_56 : i32 to index
      %get3A_58 = tpu.vector_load %arg6[%get3A_57] {strides = array<i32>} : memref<12288xf32, #tpu.memory_space<vmem>>, vector<16xf32>,
      %broadcast_in_dim3A_59 = arith.constant 1 : i32
      %broadcast_in_dim3A_60 = vector.broadcast %broadcast_in_dim3A_59 : i32 to vector<16xi32>
      tpu.vector_store_idx %arg7[%add3A_44, %broadcast_in_dim3A_60], %get3A_58 : memref<4096x8xf32, #tpu.memory_space<vmem>>[vector<16xi32>, vector<16xi32>], vector<16xf32>,
      %mul3A_61 = arith.constant 16 : i32
      %mul3A_62 = arith.muli %scan3A_39, %mul3A_61 : i32
      %add3A_63 = arith.constant 8192 : i32
      %add3A_64 = arith.addi %add3A_63, %mul3A_62 : i32
      %get3A_65 = arith.index_cast %add3A_64 : i32 to index
      %get3A_66 = tpu.vector_load %arg6[%get3A_65] {strides = array<i32>} : memref<12288xf32, #tpu.memory_space<vmem>>, vector<16xf32>,
      %broadcast_in_dim3A_67 = arith.constant 2 : i32
      %broadcast_in_dim3A_68 = vector.broadcast %broadcast_in_dim3A_67 : i32 to vector<16xi32>
      tpu.vector_store_idx %arg7[%add3A_44, %broadcast_in_dim3A_68], %get3A_66 : memref<4096x8xf32, #tpu.memory_space<vmem>>[vector<16xi32>, vector<16xi32>], vector<16xf32>,
    }
    %scan3A_9 = arith.constant 256 : i32
    %mul3A_10 = arith.constant 4096 : i32
    %mul3A_11 = arith.muli %arg1, %mul3A_10 : i32
    "tpu.region"() ({
      %run_scoped3A = tpu.sem_alloc : memref<!tpu.dma_semaphore, #tpu.memory_space<semaphore_mem>>
      %dma_start3A = arith.constant 0 : i32
      %dma_start3A_12 = tpu.memref_slice %arg5[%mul3A_11, %dma_start3A] : memref<65536x8xf32, #tpu.memory_space<hbm>> -> memref<4096x8xf32, #tpu.memory_space<hbm>>
      %dma_start3A_13 = arith.constant 0 : i32
      %dma_start3A_14 = tpu.memref_slice %arg5[%mul3A_11, %dma_start3A_13] : memref<65536x8xf32, #tpu.memory_space<hbm>> -> memref<4096x8xf32, #tpu.memory_space<hbm>>
      tpu.enqueue_dma source(%arg7 : memref<4096x8xf32, #tpu.memory_space<vmem>>) target(%dma_start3A_14 : memref<4096x8xf32, #tpu.memory_space<hbm>>) target_semaphore(%run_scoped3A : memref<!tpu.dma_semaphore, #tpu.memory_space<semaphore_mem>>)
      %dma_wait3A = arith.constant 0 : i32
      %dma_wait3A_15 = tpu.memref_slice %arg5[%mul3A_11, %dma_wait3A] : memref<65536x8xf32, #tpu.memory_space<hbm>> -> memref<4096x8xf32, #tpu.memory_space<hbm>>
      %dma_wait3A_16 = arith.constant 0 : i32
      %dma_wait3A_17 = tpu.memref_slice %arg5[%mul3A_11, %dma_wait3A_16] : memref<65536x8xf32, #tpu.memory_space<hbm>> -> memref<4096x8xf32, #tpu.memory_space<hbm>>
      tpu.wait_dma2 semaphore(%run_scoped3A : memref<!tpu.dma_semaphore, #tpu.memory_space<semaphore_mem>>) src(%arg7 : memref<4096x8xf32, #tpu.memory_space<vmem>>) dst(%dma_wait3A_17 : memref<4096x8xf32, #tpu.memory_space<hbm>>)
      tpu.yield
    }) : () -> ()
    return
  }
}

#map = affine_map<(d0, d1) -> (0, 0)>
#map1 = affine_map<(d0, d1) -> (0)>
module attributes {stable_mosaic.version = 14 : i64} {
  func.func @_main_body(%arg0: i32, %arg1: i32, %arg2: memref<65536x8xf32, #tpu.memory_space<hbm>>, %arg3: memref<200000xi32, #tpu.memory_space<hbm>>, %arg4: memref<200000xi32, #tpu.memory_space<hbm>>, %arg5: memref<200000xi32, #tpu.memory_space<hbm>>, %arg6: memref<131072xi32, #tpu.memory_space<hbm>>, %arg7: memref<32x16xf32, #tpu.memory_space<hbm>>, %arg8: memref<4096xi32, #tpu.memory_space<vmem>>, %arg9: memref<2048xi32, #tpu.memory_space<vmem>>, %arg10: memref<2048xi32, #tpu.memory_space<vmem>>, %arg11: memref<2048xi32, #tpu.memory_space<vmem>>, %arg12: memref<2048xi32, #tpu.memory_space<vmem>>, %arg13: memref<2048xi32, #tpu.memory_space<vmem>>, %arg14: memref<2048xi32, #tpu.memory_space<vmem>>, %arg15: memref<2048x8xf32, #tpu.memory_space<vmem>>, %arg16: memref<2048x8xf32, #tpu.memory_space<vmem>>, %arg17: memref<2048x8xf32, #tpu.memory_space<vmem>>, %arg18: memref<2048x8xf32, #tpu.memory_space<vmem>>, %arg19: memref<2048x8xf32, #tpu.memory_space<vmem>>, %arg20: memref<2048x8xf32, #tpu.memory_space<vmem>>, %arg21: memref<16xf32, #tpu.memory_space<vmem>>, %arg22: memref<!tpu.dma_semaphore, #tpu.memory_space<semaphore_mem>>, %arg23: memref<!tpu.dma_semaphore, #tpu.memory_space<semaphore_mem>>) attributes {dimension_semantics = [#tpu.dimension_semantics<core_parallel>, #tpu.dimension_semantics<subcore_parallel>], iteration_bounds = array<i64: 2, 16>, scalar_prefetch = 0 : i64, scratch_operands = 16 : i64, tpu.core_type = #tpu.core_type<sc_vector_subcore>, window_params = [{transform_indices = #map}, {transform_indices = #map1}, {transform_indices = #map1}, {transform_indices = #map1}, {transform_indices = #map1}, {transform_indices = #map}]} {
    %mul3A = arith.constant 2 : i32
    %mul3A_0 = arith.muli %arg1, %mul3A : i32
    %add3A = arith.addi %mul3A_0, %arg0 : i32
    %mul3A_1 = arith.constant 4096 : i32
    %mul3A_2 = arith.muli %add3A, %mul3A_1 : i32
    "tpu.region"() ({
      %run_scoped3A = tpu.sem_alloc : memref<!tpu.dma_semaphore, #tpu.memory_space<semaphore_mem>>
      %dma_start3A_103 = tpu.memref_slice %arg6[%mul3A_2] : memref<131072xi32, #tpu.memory_space<hbm>> -> memref<4096xi32, #tpu.memory_space<hbm>>
      %dma_start3A_104 = tpu.memref_slice %arg6[%mul3A_2] : memref<131072xi32, #tpu.memory_space<hbm>> -> memref<4096xi32, #tpu.memory_space<hbm>>
      tpu.enqueue_dma source(%dma_start3A_104 : memref<4096xi32, #tpu.memory_space<hbm>>) target(%arg8 : memref<4096xi32, #tpu.memory_space<vmem>>) target_semaphore(%run_scoped3A : memref<!tpu.dma_semaphore, #tpu.memory_space<semaphore_mem>>)
      %dma_wait3A_105 = tpu.memref_slice %arg6[%mul3A_2] : memref<131072xi32, #tpu.memory_space<hbm>> -> memref<4096xi32, #tpu.memory_space<hbm>>
      %dma_wait3A_106 = tpu.memref_slice %arg6[%mul3A_2] : memref<131072xi32, #tpu.memory_space<hbm>> -> memref<4096xi32, #tpu.memory_space<hbm>>
      tpu.wait_dma2 semaphore(%run_scoped3A : memref<!tpu.dma_semaphore, #tpu.memory_space<semaphore_mem>>) src(%dma_wait3A_106 : memref<4096xi32, #tpu.memory_space<hbm>>) dst(%arg8 : memref<4096xi32, #tpu.memory_space<vmem>>)
      tpu.yield
    }) : () -> ()
    %dma_start3A = arith.constant 0 : i32
    %dma_start3A_3 = tpu.memref_slice %arg8[%dma_start3A] : memref<4096xi32, #tpu.memory_space<vmem>> -> memref<2048xi32, #tpu.memory_space<vmem>>
    %dma_start3A_4 = arith.constant 0 : i32
    %dma_start3A_5 = tpu.memref_slice %arg3[%dma_start3A_4] : memref<200000xi32, #tpu.memory_space<hbm>> -> memref<200000xi32, #tpu.memory_space<hbm>>
    tpu.enqueue_indirect_dma source(%dma_start3A_5 : memref<200000xi32, #tpu.memory_space<hbm>>) target(%arg9 : memref<2048xi32, #tpu.memory_space<vmem>>) offsets(%dma_start3A_3 : memref<2048xi32, #tpu.memory_space<vmem>>) semaphore(%arg23 : memref<!tpu.dma_semaphore, #tpu.memory_space<semaphore_mem>>)
    %dma_start3A_6 = arith.constant 0 : i32
    %dma_start3A_7 = tpu.memref_slice %arg8[%dma_start3A_6] : memref<4096xi32, #tpu.memory_space<vmem>> -> memref<2048xi32, #tpu.memory_space<vmem>>
    %dma_start3A_8 = arith.constant 0 : i32
    %dma_start3A_9 = tpu.memref_slice %arg4[%dma_start3A_8] : memref<200000xi32, #tpu.memory_space<hbm>> -> memref<200000xi32, #tpu.memory_space<hbm>>
    tpu.enqueue_indirect_dma source(%dma_start3A_9 : memref<200000xi32, #tpu.memory_space<hbm>>) target(%arg10 : memref<2048xi32, #tpu.memory_space<vmem>>) offsets(%dma_start3A_7 : memref<2048xi32, #tpu.memory_space<vmem>>) semaphore(%arg23 : memref<!tpu.dma_semaphore, #tpu.memory_space<semaphore_mem>>)
    %dma_start3A_10 = arith.constant 0 : i32
    %dma_start3A_11 = tpu.memref_slice %arg8[%dma_start3A_10] : memref<4096xi32, #tpu.memory_space<vmem>> -> memref<2048xi32, #tpu.memory_space<vmem>>
    %dma_start3A_12 = arith.constant 0 : i32
    %dma_start3A_13 = tpu.memref_slice %arg5[%dma_start3A_12] : memref<200000xi32, #tpu.memory_space<hbm>> -> memref<200000xi32, #tpu.memory_space<hbm>>
    tpu.enqueue_indirect_dma source(%dma_start3A_13 : memref<200000xi32, #tpu.memory_space<hbm>>) target(%arg11 : memref<2048xi32, #tpu.memory_space<vmem>>) offsets(%dma_start3A_11 : memref<2048xi32, #tpu.memory_space<vmem>>) semaphore(%arg23 : memref<!tpu.dma_semaphore, #tpu.memory_space<semaphore_mem>>)
    %dma_start3A_14 = arith.constant 2048 : i32
    %dma_start3A_15 = tpu.memref_slice %arg8[%dma_start3A_14] : memref<4096xi32, #tpu.memory_space<vmem>> -> memref<2048xi32, #tpu.memory_space<vmem>>
    %dma_start3A_16 = arith.constant 0 : i32
    %dma_start3A_17 = tpu.memref_slice %arg3[%dma_start3A_16] : memref<200000xi32, #tpu.memory_space<hbm>> -> memref<200000xi32, #tpu.memory_space<hbm>>
    tpu.enqueue_indirect_dma source(%dma_start3A_17 : memref<200000xi32, #tpu.memory_space<hbm>>) target(%arg12 : memref<2048xi32, #tpu.memory_space<vmem>>) offsets(%dma_start3A_15 : memref<2048xi32, #tpu.memory_space<vmem>>) semaphore(%arg23 : memref<!tpu.dma_semaphore, #tpu.memory_space<semaphore_mem>>)
    %dma_start3A_18 = arith.constant 2048 : i32
    %dma_start3A_19 = tpu.memref_slice %arg8[%dma_start3A_18] : memref<4096xi32, #tpu.memory_space<vmem>> -> memref<2048xi32, #tpu.memory_space<vmem>>
    %dma_start3A_20 = arith.constant 0 : i32
    %dma_start3A_21 = tpu.memref_slice %arg4[%dma_start3A_20] : memref<200000xi32, #tpu.memory_space<hbm>> -> memref<200000xi32, #tpu.memory_space<hbm>>
    tpu.enqueue_indirect_dma source(%dma_start3A_21 : memref<200000xi32, #tpu.memory_space<hbm>>) target(%arg13 : memref<2048xi32, #tpu.memory_space<vmem>>) offsets(%dma_start3A_19 : memref<2048xi32, #tpu.memory_space<vmem>>) semaphore(%arg23 : memref<!tpu.dma_semaphore, #tpu.memory_space<semaphore_mem>>)
    %dma_start3A_22 = arith.constant 2048 : i32
    %dma_start3A_23 = tpu.memref_slice %arg8[%dma_start3A_22] : memref<4096xi32, #tpu.memory_space<vmem>> -> memref<2048xi32, #tpu.memory_space<vmem>>
    %dma_start3A_24 = arith.constant 0 : i32
    %dma_start3A_25 = tpu.memref_slice %arg5[%dma_start3A_24] : memref<200000xi32, #tpu.memory_space<hbm>> -> memref<200000xi32, #tpu.memory_space<hbm>>
    tpu.enqueue_indirect_dma source(%dma_start3A_25 : memref<200000xi32, #tpu.memory_space<hbm>>) target(%arg14 : memref<2048xi32, #tpu.memory_space<vmem>>) offsets(%dma_start3A_23 : memref<2048xi32, #tpu.memory_space<vmem>>) semaphore(%arg23 : memref<!tpu.dma_semaphore, #tpu.memory_space<semaphore_mem>>)
    %dma_wait3A = arith.constant 0 : i32
    %dma_wait3A_26 = tpu.memref_slice %arg8[%dma_wait3A] : memref<4096xi32, #tpu.memory_space<vmem>> -> memref<2048xi32, #tpu.memory_space<vmem>>
    %dma_wait3A_27 = arith.constant 0 : i32
    %dma_wait3A_28 = tpu.memref_slice %arg3[%dma_wait3A_27] : memref<200000xi32, #tpu.memory_space<hbm>> -> memref<200000xi32, #tpu.memory_space<hbm>>
    tpu.wait_indirect_dma semaphore(%arg23 : memref<!tpu.dma_semaphore, #tpu.memory_space<semaphore_mem>>) src(%dma_wait3A_28 : memref<200000xi32, #tpu.memory_space<hbm>>) dst(%arg9 : memref<2048xi32, #tpu.memory_space<vmem>>)
    %dma_wait3A_29 = arith.constant 0 : i32
    %dma_wait3A_30 = tpu.memref_slice %arg8[%dma_wait3A_29] : memref<4096xi32, #tpu.memory_space<vmem>> -> memref<2048xi32, #tpu.memory_space<vmem>>
    %dma_wait3A_31 = arith.constant 0 : i32
    %dma_wait3A_32 = tpu.memref_slice %arg4[%dma_wait3A_31] : memref<200000xi32, #tpu.memory_space<hbm>> -> memref<200000xi32, #tpu.memory_space<hbm>>
    tpu.wait_indirect_dma semaphore(%arg23 : memref<!tpu.dma_semaphore, #tpu.memory_space<semaphore_mem>>) src(%dma_wait3A_32 : memref<200000xi32, #tpu.memory_space<hbm>>) dst(%arg10 : memref<2048xi32, #tpu.memory_space<vmem>>)
    %dma_wait3A_33 = arith.constant 0 : i32
    %dma_wait3A_34 = tpu.memref_slice %arg8[%dma_wait3A_33] : memref<4096xi32, #tpu.memory_space<vmem>> -> memref<2048xi32, #tpu.memory_space<vmem>>
    %dma_wait3A_35 = arith.constant 0 : i32
    %dma_wait3A_36 = tpu.memref_slice %arg5[%dma_wait3A_35] : memref<200000xi32, #tpu.memory_space<hbm>> -> memref<200000xi32, #tpu.memory_space<hbm>>
    tpu.wait_indirect_dma semaphore(%arg23 : memref<!tpu.dma_semaphore, #tpu.memory_space<semaphore_mem>>) src(%dma_wait3A_36 : memref<200000xi32, #tpu.memory_space<hbm>>) dst(%arg11 : memref<2048xi32, #tpu.memory_space<vmem>>)
    %dma_wait3A_37 = arith.constant 2048 : i32
    %dma_wait3A_38 = tpu.memref_slice %arg8[%dma_wait3A_37] : memref<4096xi32, #tpu.memory_space<vmem>> -> memref<2048xi32, #tpu.memory_space<vmem>>
    %dma_wait3A_39 = arith.constant 0 : i32
    %dma_wait3A_40 = tpu.memref_slice %arg3[%dma_wait3A_39] : memref<200000xi32, #tpu.memory_space<hbm>> -> memref<200000xi32, #tpu.memory_space<hbm>>
    tpu.wait_indirect_dma semaphore(%arg23 : memref<!tpu.dma_semaphore, #tpu.memory_space<semaphore_mem>>) src(%dma_wait3A_40 : memref<200000xi32, #tpu.memory_space<hbm>>) dst(%arg12 : memref<2048xi32, #tpu.memory_space<vmem>>)
    %dma_wait3A_41 = arith.constant 2048 : i32
    %dma_wait3A_42 = tpu.memref_slice %arg8[%dma_wait3A_41] : memref<4096xi32, #tpu.memory_space<vmem>> -> memref<2048xi32, #tpu.memory_space<vmem>>
    %dma_wait3A_43 = arith.constant 0 : i32
    %dma_wait3A_44 = tpu.memref_slice %arg4[%dma_wait3A_43] : memref<200000xi32, #tpu.memory_space<hbm>> -> memref<200000xi32, #tpu.memory_space<hbm>>
    tpu.wait_indirect_dma semaphore(%arg23 : memref<!tpu.dma_semaphore, #tpu.memory_space<semaphore_mem>>) src(%dma_wait3A_44 : memref<200000xi32, #tpu.memory_space<hbm>>) dst(%arg13 : memref<2048xi32, #tpu.memory_space<vmem>>)
    %dma_wait3A_45 = arith.constant 2048 : i32
    %dma_wait3A_46 = tpu.memref_slice %arg8[%dma_wait3A_45] : memref<4096xi32, #tpu.memory_space<vmem>> -> memref<2048xi32, #tpu.memory_space<vmem>>
    %dma_wait3A_47 = arith.constant 0 : i32
    %dma_wait3A_48 = tpu.memref_slice %arg5[%dma_wait3A_47] : memref<200000xi32, #tpu.memory_space<hbm>> -> memref<200000xi32, #tpu.memory_space<hbm>>
    tpu.wait_indirect_dma semaphore(%arg23 : memref<!tpu.dma_semaphore, #tpu.memory_space<semaphore_mem>>) src(%dma_wait3A_48 : memref<200000xi32, #tpu.memory_space<hbm>>) dst(%arg14 : memref<2048xi32, #tpu.memory_space<vmem>>)
    %dma_start3A_49 = arith.constant 0 : i32
    %dma_start3A_50 = arith.constant 0 : i32
    %dma_start3A_51 = tpu.memref_slice %arg2[%dma_start3A_49, %dma_start3A_50] : memref<65536x8xf32, #tpu.memory_space<hbm>> -> memref<65536x8xf32, #tpu.memory_space<hbm>>
    tpu.enqueue_indirect_dma source(%dma_start3A_51 : memref<65536x8xf32, #tpu.memory_space<hbm>>) target(%arg15 : memref<2048x8xf32, #tpu.memory_space<vmem>>) offsets(%arg9 : memref<2048xi32, #tpu.memory_space<vmem>>) semaphore(%arg22 : memref<!tpu.dma_semaphore, #tpu.memory_space<semaphore_mem>>)
    %dma_start3A_52 = arith.constant 0 : i32
    %dma_start3A_53 = arith.constant 0 : i32
    %dma_start3A_54 = tpu.memref_slice %arg2[%dma_start3A_52, %dma_start3A_53] : memref<65536x8xf32, #tpu.memory_space<hbm>> -> memref<65536x8xf32, #tpu.memory_space<hbm>>
    tpu.enqueue_indirect_dma source(%dma_start3A_54 : memref<65536x8xf32, #tpu.memory_space<hbm>>) target(%arg16 : memref<2048x8xf32, #tpu.memory_space<vmem>>) offsets(%arg10 : memref<2048xi32, #tpu.memory_space<vmem>>) semaphore(%arg22 : memref<!tpu.dma_semaphore, #tpu.memory_space<semaphore_mem>>)
    %dma_start3A_55 = arith.constant 0 : i32
    %dma_start3A_56 = arith.constant 0 : i32
    %dma_start3A_57 = tpu.memref_slice %arg2[%dma_start3A_55, %dma_start3A_56] : memref<65536x8xf32, #tpu.memory_space<hbm>> -> memref<65536x8xf32, #tpu.memory_space<hbm>>
    tpu.enqueue_indirect_dma source(%dma_start3A_57 : memref<65536x8xf32, #tpu.memory_space<hbm>>) target(%arg17 : memref<2048x8xf32, #tpu.memory_space<vmem>>) offsets(%arg11 : memref<2048xi32, #tpu.memory_space<vmem>>) semaphore(%arg22 : memref<!tpu.dma_semaphore, #tpu.memory_space<semaphore_mem>>)
    %dma_wait3A_58 = arith.constant 0 : i32
    %dma_wait3A_59 = arith.constant 0 : i32
    %dma_wait3A_60 = tpu.memref_slice %arg2[%dma_wait3A_58, %dma_wait3A_59] : memref<65536x8xf32, #tpu.memory_space<hbm>> -> memref<65536x8xf32, #tpu.memory_space<hbm>>
    tpu.wait_indirect_dma semaphore(%arg22 : memref<!tpu.dma_semaphore, #tpu.memory_space<semaphore_mem>>) src(%dma_wait3A_60 : memref<65536x8xf32, #tpu.memory_space<hbm>>) dst(%arg15 : memref<2048x8xf32, #tpu.memory_space<vmem>>)
    %dma_wait3A_61 = arith.constant 0 : i32
    %dma_wait3A_62 = arith.constant 0 : i32
    %dma_wait3A_63 = tpu.memref_slice %arg2[%dma_wait3A_61, %dma_wait3A_62] : memref<65536x8xf32, #tpu.memory_space<hbm>> -> memref<65536x8xf32, #tpu.memory_space<hbm>>
    tpu.wait_indirect_dma semaphore(%arg22 : memref<!tpu.dma_semaphore, #tpu.memory_space<semaphore_mem>>) src(%dma_wait3A_63 : memref<65536x8xf32, #tpu.memory_space<hbm>>) dst(%arg16 : memref<2048x8xf32, #tpu.memory_space<vmem>>)
    %dma_wait3A_64 = arith.constant 0 : i32
    %dma_wait3A_65 = arith.constant 0 : i32
    %dma_wait3A_66 = tpu.memref_slice %arg2[%dma_wait3A_64, %dma_wait3A_65] : memref<65536x8xf32, #tpu.memory_space<hbm>> -> memref<65536x8xf32, #tpu.memory_space<hbm>>
    tpu.wait_indirect_dma semaphore(%arg22 : memref<!tpu.dma_semaphore, #tpu.memory_space<semaphore_mem>>) src(%dma_wait3A_66 : memref<65536x8xf32, #tpu.memory_space<hbm>>) dst(%arg17 : memref<2048x8xf32, #tpu.memory_space<vmem>>)
    %dma_start3A_67 = arith.constant 0 : i32
    %dma_start3A_68 = arith.constant 0 : i32
    %dma_start3A_69 = tpu.memref_slice %arg2[%dma_start3A_67, %dma_start3A_68] : memref<65536x8xf32, #tpu.memory_space<hbm>> -> memref<65536x8xf32, #tpu.memory_space<hbm>>
    tpu.enqueue_indirect_dma source(%dma_start3A_69 : memref<65536x8xf32, #tpu.memory_space<hbm>>) target(%arg18 : memref<2048x8xf32, #tpu.memory_space<vmem>>) offsets(%arg12 : memref<2048xi32, #tpu.memory_space<vmem>>) semaphore(%arg22 : memref<!tpu.dma_semaphore, #tpu.memory_space<semaphore_mem>>)
    %dma_start3A_70 = arith.constant 0 : i32
    %dma_start3A_71 = arith.constant 0 : i32
    %dma_start3A_72 = tpu.memref_slice %arg2[%dma_start3A_70, %dma_start3A_71] : memref<65536x8xf32, #tpu.memory_space<hbm>> -> memref<65536x8xf32, #tpu.memory_space<hbm>>
    tpu.enqueue_indirect_dma source(%dma_start3A_72 : memref<65536x8xf32, #tpu.memory_space<hbm>>) target(%arg19 : memref<2048x8xf32, #tpu.memory_space<vmem>>) offsets(%arg13 : memref<2048xi32, #tpu.memory_space<vmem>>) semaphore(%arg22 : memref<!tpu.dma_semaphore, #tpu.memory_space<semaphore_mem>>)
    %dma_start3A_73 = arith.constant 0 : i32
    %dma_start3A_74 = arith.constant 0 : i32
    %dma_start3A_75 = tpu.memref_slice %arg2[%dma_start3A_73, %dma_start3A_74] : memref<65536x8xf32, #tpu.memory_space<hbm>> -> memref<65536x8xf32, #tpu.memory_space<hbm>>
    tpu.enqueue_indirect_dma source(%dma_start3A_75 : memref<65536x8xf32, #tpu.memory_space<hbm>>) target(%arg20 : memref<2048x8xf32, #tpu.memory_space<vmem>>) offsets(%arg14 : memref<2048xi32, #tpu.memory_space<vmem>>) semaphore(%arg22 : memref<!tpu.dma_semaphore, #tpu.memory_space<semaphore_mem>>)
    %scan3A = arith.constant 0.000000e+00 : f32
    %scan3A_76 = arith.constant 0 : i32
    %scan3A_77 = arith.constant 4 : i32
    %scan3A_78 = arith.addi %scan3A_76, %scan3A_77 : i32
    %scan3A_79 = arith.constant 1 : i32
    %scan3A_80 = scf.for %scan3A_103 = %scan3A_76 to %scan3A_78 step %scan3A_79 iter_args(%scan3A_104 = %scan3A) -> (f32)  : i32 {
      %broadcast_in_dim3A_105 = arith.constant 0.000000e+00 : f32
      %broadcast_in_dim3A_106 = vector.broadcast %broadcast_in_dim3A_105 : f32 to vector<16xf32>
      %scan3A_107 = arith.constant 0 : i32
      %scan3A_108 = arith.constant 32 : i32
      %scan3A_109 = arith.addi %scan3A_107, %scan3A_108 : i32
      %scan3A_110 = arith.constant 2 : i32
      %scan3A_111 = scf.for %scan3A_117 = %scan3A_107 to %scan3A_109 step %scan3A_110 iter_args(%scan3A_118 = %broadcast_in_dim3A_106) -> (vector<16xf32>)  : i32 {
        %mul3A_119 = arith.constant 32 : i32
        %mul3A_120 = arith.muli %scan3A_103, %mul3A_119 : i32
        %add3A_121 = arith.addi %mul3A_120, %scan3A_117 : i32
        %mul3A_122 = arith.constant 16 : i32
        %mul3A_123 = arith.muli %add3A_121, %mul3A_122 : i32
        %iota3A_124 = tpu.iota {dimensions = array<i32: 0>} : vector<16xi32>
        %add3A_125 = vector.broadcast %mul3A_123 : i32 to vector<16xi32>
        %add3A_126 = arith.addi %add3A_125, %iota3A_124 : vector<16xi32>
        %broadcast_in_dim3A_127 = arith.constant 0 : i32
        %broadcast_in_dim3A_128 = vector.broadcast %broadcast_in_dim3A_127 : i32 to vector<16xi32>
        %gather3A = tpu.vector_load_idx %arg15[%add3A_126, %broadcast_in_dim3A_128] : memref<2048x8xf32, #tpu.memory_space<vmem>>[vector<16xi32>, vector<16xi32>], vector<16xf32>,
        %broadcast_in_dim3A_129 = arith.constant 1 : i32
        %broadcast_in_dim3A_130 = vector.broadcast %broadcast_in_dim3A_129 : i32 to vector<16xi32>
        %gather3A_131 = tpu.vector_load_idx %arg15[%add3A_126, %broadcast_in_dim3A_130] : memref<2048x8xf32, #tpu.memory_space<vmem>>[vector<16xi32>, vector<16xi32>], vector<16xf32>,
        %broadcast_in_dim3A_132 = arith.constant 2 : i32
        %broadcast_in_dim3A_133 = vector.broadcast %broadcast_in_dim3A_132 : i32 to vector<16xi32>
        %gather3A_134 = tpu.vector_load_idx %arg15[%add3A_126, %broadcast_in_dim3A_133] : memref<2048x8xf32, #tpu.memory_space<vmem>>[vector<16xi32>, vector<16xi32>], vector<16xf32>,
        %broadcast_in_dim3A_135 = arith.constant 0 : i32
        %broadcast_in_dim3A_136 = vector.broadcast %broadcast_in_dim3A_135 : i32 to vector<16xi32>
        %gather3A_137 = tpu.vector_load_idx %arg16[%add3A_126, %broadcast_in_dim3A_136] : memref<2048x8xf32, #tpu.memory_space<vmem>>[vector<16xi32>, vector<16xi32>], vector<16xf32>,
        %broadcast_in_dim3A_138 = arith.constant 1 : i32
        %broadcast_in_dim3A_139 = vector.broadcast %broadcast_in_dim3A_138 : i32 to vector<16xi32>
        %gather3A_140 = tpu.vector_load_idx %arg16[%add3A_126, %broadcast_in_dim3A_139] : memref<2048x8xf32, #tpu.memory_space<vmem>>[vector<16xi32>, vector<16xi32>], vector<16xf32>,
        %broadcast_in_dim3A_141 = arith.constant 2 : i32
        %broadcast_in_dim3A_142 = vector.broadcast %broadcast_in_dim3A_141 : i32 to vector<16xi32>
        %gather3A_143 = tpu.vector_load_idx %arg16[%add3A_126, %broadcast_in_dim3A_142] : memref<2048x8xf32, #tpu.memory_space<vmem>>[vector<16xi32>, vector<16xi32>], vector<16xf32>,
        %broadcast_in_dim3A_144 = arith.constant 0 : i32
        %broadcast_in_dim3A_145 = vector.broadcast %broadcast_in_dim3A_144 : i32 to vector<16xi32>
        %gather3A_146 = tpu.vector_load_idx %arg17[%add3A_126, %broadcast_in_dim3A_145] : memref<2048x8xf32, #tpu.memory_space<vmem>>[vector<16xi32>, vector<16xi32>], vector<16xf32>,
        %broadcast_in_dim3A_147 = arith.constant 1 : i32
        %broadcast_in_dim3A_148 = vector.broadcast %broadcast_in_dim3A_147 : i32 to vector<16xi32>
        %gather3A_149 = tpu.vector_load_idx %arg17[%add3A_126, %broadcast_in_dim3A_148] : memref<2048x8xf32, #tpu.memory_space<vmem>>[vector<16xi32>, vector<16xi32>], vector<16xf32>,
        %broadcast_in_dim3A_150 = arith.constant 2 : i32
        %broadcast_in_dim3A_151 = vector.broadcast %broadcast_in_dim3A_150 : i32 to vector<16xi32>
        %gather3A_152 = tpu.vector_load_idx %arg17[%add3A_126, %broadcast_in_dim3A_151] : memref<2048x8xf32, #tpu.memory_space<vmem>>[vector<16xi32>, vector<16xi32>], vector<16xf32>,
        %mul3A_153 = arith.mulf %gather3A_140, %gather3A_152 : vector<16xf32>
        %mul3A_154 = arith.mulf %gather3A_143, %gather3A_149 : vector<16xf32>
        %sub3A = arith.subf %mul3A_153, %mul3A_154 : vector<16xf32>
        %mul3A_155 = arith.mulf %gather3A, %sub3A : vector<16xf32>
        %mul3A_156 = arith.mulf %gather3A_143, %gather3A_146 : vector<16xf32>
        %mul3A_157 = arith.mulf %gather3A_137, %gather3A_152 : vector<16xf32>
        %sub3A_158 = arith.subf %mul3A_156, %mul3A_157 : vector<16xf32>
        %mul3A_159 = arith.mulf %gather3A_131, %sub3A_158 : vector<16xf32>
        %add3A_160 = arith.addf %mul3A_155, %mul3A_159 : vector<16xf32>
        %mul3A_161 = arith.mulf %gather3A_137, %gather3A_149 : vector<16xf32>
        %mul3A_162 = arith.mulf %gather3A_140, %gather3A_146 : vector<16xf32>
        %sub3A_163 = arith.subf %mul3A_161, %mul3A_162 : vector<16xf32>
        %mul3A_164 = arith.mulf %gather3A_134, %sub3A_163 : vector<16xf32>
        %add3A_165 = arith.addf %add3A_160, %mul3A_164 : vector<16xf32>
        %add3A_166 = arith.addf %scan3A_118, %add3A_165 : vector<16xf32>
        %scan3A_167 = arith.constant 1 : i32
        %scan3A_168 = arith.addi %scan3A_117, %scan3A_167 : i32
        %mul3A_169 = arith.constant 32 : i32
        %mul3A_170 = arith.muli %scan3A_103, %mul3A_169 : i32
        %add3A_171 = arith.addi %mul3A_170, %scan3A_168 : i32
        %mul3A_172 = arith.constant 16 : i32
        %mul3A_173 = arith.muli %add3A_171, %mul3A_172 : i32
        %iota3A_174 = tpu.iota {dimensions = array<i32: 0>} : vector<16xi32>
        %add3A_175 = vector.broadcast %mul3A_173 : i32 to vector<16xi32>
        %add3A_176 = arith.addi %add3A_175, %iota3A_174 : vector<16xi32>
        %broadcast_in_dim3A_177 = arith.constant 0 : i32
        %broadcast_in_dim3A_178 = vector.broadcast %broadcast_in_dim3A_177 : i32 to vector<16xi32>
        %gather3A_179 = tpu.vector_load_idx %arg15[%add3A_176, %broadcast_in_dim3A_178] : memref<2048x8xf32, #tpu.memory_space<vmem>>[vector<16xi32>, vector<16xi32>], vector<16xf32>,
        %broadcast_in_dim3A_180 = arith.constant 1 : i32
        %broadcast_in_dim3A_181 = vector.broadcast %broadcast_in_dim3A_180 : i32 to vector<16xi32>
        %gather3A_182 = tpu.vector_load_idx %arg15[%add3A_176, %broadcast_in_dim3A_181] : memref<2048x8xf32, #tpu.memory_space<vmem>>[vector<16xi32>, vector<16xi32>], vector<16xf32>,
        %broadcast_in_dim3A_183 = arith.constant 2 : i32
        %broadcast_in_dim3A_184 = vector.broadcast %broadcast_in_dim3A_183 : i32 to vector<16xi32>
        %gather3A_185 = tpu.vector_load_idx %arg15[%add3A_176, %broadcast_in_dim3A_184] : memref<2048x8xf32, #tpu.memory_space<vmem>>[vector<16xi32>, vector<16xi32>], vector<16xf32>,
        %broadcast_in_dim3A_186 = arith.constant 0 : i32
        %broadcast_in_dim3A_187 = vector.broadcast %broadcast_in_dim3A_186 : i32 to vector<16xi32>
        %gather3A_188 = tpu.vector_load_idx %arg16[%add3A_176, %broadcast_in_dim3A_187] : memref<2048x8xf32, #tpu.memory_space<vmem>>[vector<16xi32>, vector<16xi32>], vector<16xf32>,
        %broadcast_in_dim3A_189 = arith.constant 1 : i32
        %broadcast_in_dim3A_190 = vector.broadcast %broadcast_in_dim3A_189 : i32 to vector<16xi32>
        %gather3A_191 = tpu.vector_load_idx %arg16[%add3A_176, %broadcast_in_dim3A_190] : memref<2048x8xf32, #tpu.memory_space<vmem>>[vector<16xi32>, vector<16xi32>], vector<16xf32>,
        %broadcast_in_dim3A_192 = arith.constant 2 : i32
        %broadcast_in_dim3A_193 = vector.broadcast %broadcast_in_dim3A_192 : i32 to vector<16xi32>
        %gather3A_194 = tpu.vector_load_idx %arg16[%add3A_176, %broadcast_in_dim3A_193] : memref<2048x8xf32, #tpu.memory_space<vmem>>[vector<16xi32>, vector<16xi32>], vector<16xf32>,
        %broadcast_in_dim3A_195 = arith.constant 0 : i32
        %broadcast_in_dim3A_196 = vector.broadcast %broadcast_in_dim3A_195 : i32 to vector<16xi32>
        %gather3A_197 = tpu.vector_load_idx %arg17[%add3A_176, %broadcast_in_dim3A_196] : memref<2048x8xf32, #tpu.memory_space<vmem>>[vector<16xi32>, vector<16xi32>], vector<16xf32>,
        %broadcast_in_dim3A_198 = arith.constant 1 : i32
        %broadcast_in_dim3A_199 = vector.broadcast %broadcast_in_dim3A_198 : i32 to vector<16xi32>
        %gather3A_200 = tpu.vector_load_idx %arg17[%add3A_176, %broadcast_in_dim3A_199] : memref<2048x8xf32, #tpu.memory_space<vmem>>[vector<16xi32>, vector<16xi32>], vector<16xf32>,
        %broadcast_in_dim3A_201 = arith.constant 2 : i32
        %broadcast_in_dim3A_202 = vector.broadcast %broadcast_in_dim3A_201 : i32 to vector<16xi32>
        %gather3A_203 = tpu.vector_load_idx %arg17[%add3A_176, %broadcast_in_dim3A_202] : memref<2048x8xf32, #tpu.memory_space<vmem>>[vector<16xi32>, vector<16xi32>], vector<16xf32>,
        %mul3A_204 = arith.mulf %gather3A_191, %gather3A_203 : vector<16xf32>
        %mul3A_205 = arith.mulf %gather3A_194, %gather3A_200 : vector<16xf32>
        %sub3A_206 = arith.subf %mul3A_204, %mul3A_205 : vector<16xf32>
        %mul3A_207 = arith.mulf %gather3A_179, %sub3A_206 : vector<16xf32>
        %mul3A_208 = arith.mulf %gather3A_194, %gather3A_197 : vector<16xf32>
        %mul3A_209 = arith.mulf %gather3A_188, %gather3A_203 : vector<16xf32>
        %sub3A_210 = arith.subf %mul3A_208, %mul3A_209 : vector<16xf32>
        %mul3A_211 = arith.mulf %gather3A_182, %sub3A_210 : vector<16xf32>
        %add3A_212 = arith.addf %mul3A_207, %mul3A_211 : vector<16xf32>
        %mul3A_213 = arith.mulf %gather3A_188, %gather3A_200 : vector<16xf32>
        %mul3A_214 = arith.mulf %gather3A_191, %gather3A_197 : vector<16xf32>
        %sub3A_215 = arith.subf %mul3A_213, %mul3A_214 : vector<16xf32>
        %mul3A_216 = arith.mulf %gather3A_185, %sub3A_215 : vector<16xf32>
        %add3A_217 = arith.addf %add3A_212, %mul3A_216 : vector<16xf32>
        %add3A_218 = arith.addf %add3A_166, %add3A_217 : vector<16xf32>
        scf.yield %add3A_218 : vector<16xf32>
      }
      %scan3A_112 = arith.constant 32 : i32
      %reduce_sum3A = arith.constant true
      %reduce_sum3A_113 = vector.broadcast %reduce_sum3A : i1 to vector<16xi1>
      %reduce_sum3A_114 = tpu.scan <sum>, %scan3A_111 masked %reduce_sum3A_113 : vector<16xf32>, vector<16xi1> -> vector<16xf32>
      %reduce_sum3A_115 = vector.extract %reduce_sum3A_114[15] : f32 from vector<16xf32>
      %abs3A = math.absf %reduce_sum3A_115 : f32
      %add3A_116 = arith.addf %scan3A_104, %abs3A : f32
      scf.yield %add3A_116 : f32
    }
    %scan3A_81 = arith.constant 4 : i32
    %dma_wait3A_82 = arith.constant 0 : i32
    %dma_wait3A_83 = arith.constant 0 : i32
    %dma_wait3A_84 = tpu.memref_slice %arg2[%dma_wait3A_82, %dma_wait3A_83] : memref<65536x8xf32, #tpu.memory_space<hbm>> -> memref<65536x8xf32, #tpu.memory_space<hbm>>
    tpu.wait_indirect_dma semaphore(%arg22 : memref<!tpu.dma_semaphore, #tpu.memory_space<semaphore_mem>>) src(%dma_wait3A_84 : memref<65536x8xf32, #tpu.memory_space<hbm>>) dst(%arg18 : memref<2048x8xf32, #tpu.memory_space<vmem>>)
    %dma_wait3A_85 = arith.constant 0 : i32
    %dma_wait3A_86 = arith.constant 0 : i32
    %dma_wait3A_87 = tpu.memref_slice %arg2[%dma_wait3A_85, %dma_wait3A_86] : memref<65536x8xf32, #tpu.memory_space<hbm>> -> memref<65536x8xf32, #tpu.memory_space<hbm>>
    tpu.wait_indirect_dma semaphore(%arg22 : memref<!tpu.dma_semaphore, #tpu.memory_space<semaphore_mem>>) src(%dma_wait3A_87 : memref<65536x8xf32, #tpu.memory_space<hbm>>) dst(%arg19 : memref<2048x8xf32, #tpu.memory_space<vmem>>)
    %dma_wait3A_88 = arith.constant 0 : i32
    %dma_wait3A_89 = arith.constant 0 : i32
    %dma_wait3A_90 = tpu.memref_slice %arg2[%dma_wait3A_88, %dma_wait3A_89] : memref<65536x8xf32, #tpu.memory_space<hbm>> -> memref<65536x8xf32, #tpu.memory_space<hbm>>
    tpu.wait_indirect_dma semaphore(%arg22 : memref<!tpu.dma_semaphore, #tpu.memory_space<semaphore_mem>>) src(%dma_wait3A_90 : memref<65536x8xf32, #tpu.memory_space<hbm>>) dst(%arg20 : memref<2048x8xf32, #tpu.memory_space<vmem>>)
    %scan3A_91 = arith.constant 0 : i32
    %scan3A_92 = arith.constant 4 : i32
    %scan3A_93 = arith.addi %scan3A_91, %scan3A_92 : i32
    %scan3A_94 = arith.constant 1 : i32
    %scan3A_95 = scf.for %scan3A_103 = %scan3A_91 to %scan3A_93 step %scan3A_94 iter_args(%scan3A_104 = %scan3A_80) -> (f32)  : i32 {
      %broadcast_in_dim3A_105 = arith.constant 0.000000e+00 : f32
      %broadcast_in_dim3A_106 = vector.broadcast %broadcast_in_dim3A_105 : f32 to vector<16xf32>
      %scan3A_107 = arith.constant 0 : i32
      %scan3A_108 = arith.constant 32 : i32
      %scan3A_109 = arith.addi %scan3A_107, %scan3A_108 : i32
      %scan3A_110 = arith.constant 2 : i32
      %scan3A_111 = scf.for %scan3A_117 = %scan3A_107 to %scan3A_109 step %scan3A_110 iter_args(%scan3A_118 = %broadcast_in_dim3A_106) -> (vector<16xf32>)  : i32 {
        %mul3A_119 = arith.constant 32 : i32
        %mul3A_120 = arith.muli %scan3A_103, %mul3A_119 : i32
        %add3A_121 = arith.addi %mul3A_120, %scan3A_117 : i32
        %mul3A_122 = arith.constant 16 : i32
        %mul3A_123 = arith.muli %add3A_121, %mul3A_122 : i32
        %iota3A_124 = tpu.iota {dimensions = array<i32: 0>} : vector<16xi32>
        %add3A_125 = vector.broadcast %mul3A_123 : i32 to vector<16xi32>
        %add3A_126 = arith.addi %add3A_125, %iota3A_124 : vector<16xi32>
        %broadcast_in_dim3A_127 = arith.constant 0 : i32
        %broadcast_in_dim3A_128 = vector.broadcast %broadcast_in_dim3A_127 : i32 to vector<16xi32>
        %gather3A = tpu.vector_load_idx %arg18[%add3A_126, %broadcast_in_dim3A_128] : memref<2048x8xf32, #tpu.memory_space<vmem>>[vector<16xi32>, vector<16xi32>], vector<16xf32>,
        %broadcast_in_dim3A_129 = arith.constant 1 : i32
        %broadcast_in_dim3A_130 = vector.broadcast %broadcast_in_dim3A_129 : i32 to vector<16xi32>
        %gather3A_131 = tpu.vector_load_idx %arg18[%add3A_126, %broadcast_in_dim3A_130] : memref<2048x8xf32, #tpu.memory_space<vmem>>[vector<16xi32>, vector<16xi32>], vector<16xf32>,
        %broadcast_in_dim3A_132 = arith.constant 2 : i32
        %broadcast_in_dim3A_133 = vector.broadcast %broadcast_in_dim3A_132 : i32 to vector<16xi32>
        %gather3A_134 = tpu.vector_load_idx %arg18[%add3A_126, %broadcast_in_dim3A_133] : memref<2048x8xf32, #tpu.memory_space<vmem>>[vector<16xi32>, vector<16xi32>], vector<16xf32>,
        %broadcast_in_dim3A_135 = arith.constant 0 : i32
        %broadcast_in_dim3A_136 = vector.broadcast %broadcast_in_dim3A_135 : i32 to vector<16xi32>
        %gather3A_137 = tpu.vector_load_idx %arg19[%add3A_126, %broadcast_in_dim3A_136] : memref<2048x8xf32, #tpu.memory_space<vmem>>[vector<16xi32>, vector<16xi32>], vector<16xf32>,
        %broadcast_in_dim3A_138 = arith.constant 1 : i32
        %broadcast_in_dim3A_139 = vector.broadcast %broadcast_in_dim3A_138 : i32 to vector<16xi32>
        %gather3A_140 = tpu.vector_load_idx %arg19[%add3A_126, %broadcast_in_dim3A_139] : memref<2048x8xf32, #tpu.memory_space<vmem>>[vector<16xi32>, vector<16xi32>], vector<16xf32>,
        %broadcast_in_dim3A_141 = arith.constant 2 : i32
        %broadcast_in_dim3A_142 = vector.broadcast %broadcast_in_dim3A_141 : i32 to vector<16xi32>
        %gather3A_143 = tpu.vector_load_idx %arg19[%add3A_126, %broadcast_in_dim3A_142] : memref<2048x8xf32, #tpu.memory_space<vmem>>[vector<16xi32>, vector<16xi32>], vector<16xf32>,
        %broadcast_in_dim3A_144 = arith.constant 0 : i32
        %broadcast_in_dim3A_145 = vector.broadcast %broadcast_in_dim3A_144 : i32 to vector<16xi32>
        %gather3A_146 = tpu.vector_load_idx %arg20[%add3A_126, %broadcast_in_dim3A_145] : memref<2048x8xf32, #tpu.memory_space<vmem>>[vector<16xi32>, vector<16xi32>], vector<16xf32>,
        %broadcast_in_dim3A_147 = arith.constant 1 : i32
        %broadcast_in_dim3A_148 = vector.broadcast %broadcast_in_dim3A_147 : i32 to vector<16xi32>
        %gather3A_149 = tpu.vector_load_idx %arg20[%add3A_126, %broadcast_in_dim3A_148] : memref<2048x8xf32, #tpu.memory_space<vmem>>[vector<16xi32>, vector<16xi32>], vector<16xf32>,
        %broadcast_in_dim3A_150 = arith.constant 2 : i32
        %broadcast_in_dim3A_151 = vector.broadcast %broadcast_in_dim3A_150 : i32 to vector<16xi32>
        %gather3A_152 = tpu.vector_load_idx %arg20[%add3A_126, %broadcast_in_dim3A_151] : memref<2048x8xf32, #tpu.memory_space<vmem>>[vector<16xi32>, vector<16xi32>], vector<16xf32>,
        %mul3A_153 = arith.mulf %gather3A_140, %gather3A_152 : vector<16xf32>
        %mul3A_154 = arith.mulf %gather3A_143, %gather3A_149 : vector<16xf32>
        %sub3A = arith.subf %mul3A_153, %mul3A_154 : vector<16xf32>
        %mul3A_155 = arith.mulf %gather3A, %sub3A : vector<16xf32>
        %mul3A_156 = arith.mulf %gather3A_143, %gather3A_146 : vector<16xf32>
        %mul3A_157 = arith.mulf %gather3A_137, %gather3A_152 : vector<16xf32>
        %sub3A_158 = arith.subf %mul3A_156, %mul3A_157 : vector<16xf32>
        %mul3A_159 = arith.mulf %gather3A_131, %sub3A_158 : vector<16xf32>
        %add3A_160 = arith.addf %mul3A_155, %mul3A_159 : vector<16xf32>
        %mul3A_161 = arith.mulf %gather3A_137, %gather3A_149 : vector<16xf32>
        %mul3A_162 = arith.mulf %gather3A_140, %gather3A_146 : vector<16xf32>
        %sub3A_163 = arith.subf %mul3A_161, %mul3A_162 : vector<16xf32>
        %mul3A_164 = arith.mulf %gather3A_134, %sub3A_163 : vector<16xf32>
        %add3A_165 = arith.addf %add3A_160, %mul3A_164 : vector<16xf32>
        %add3A_166 = arith.addf %scan3A_118, %add3A_165 : vector<16xf32>
        %scan3A_167 = arith.constant 1 : i32
        %scan3A_168 = arith.addi %scan3A_117, %scan3A_167 : i32
        %mul3A_169 = arith.constant 32 : i32
        %mul3A_170 = arith.muli %scan3A_103, %mul3A_169 : i32
        %add3A_171 = arith.addi %mul3A_170, %scan3A_168 : i32
        %mul3A_172 = arith.constant 16 : i32
        %mul3A_173 = arith.muli %add3A_171, %mul3A_172 : i32
        %iota3A_174 = tpu.iota {dimensions = array<i32: 0>} : vector<16xi32>
        %add3A_175 = vector.broadcast %mul3A_173 : i32 to vector<16xi32>
        %add3A_176 = arith.addi %add3A_175, %iota3A_174 : vector<16xi32>
        %broadcast_in_dim3A_177 = arith.constant 0 : i32
        %broadcast_in_dim3A_178 = vector.broadcast %broadcast_in_dim3A_177 : i32 to vector<16xi32>
        %gather3A_179 = tpu.vector_load_idx %arg18[%add3A_176, %broadcast_in_dim3A_178] : memref<2048x8xf32, #tpu.memory_space<vmem>>[vector<16xi32>, vector<16xi32>], vector<16xf32>,
        %broadcast_in_dim3A_180 = arith.constant 1 : i32
        %broadcast_in_dim3A_181 = vector.broadcast %broadcast_in_dim3A_180 : i32 to vector<16xi32>
        %gather3A_182 = tpu.vector_load_idx %arg18[%add3A_176, %broadcast_in_dim3A_181] : memref<2048x8xf32, #tpu.memory_space<vmem>>[vector<16xi32>, vector<16xi32>], vector<16xf32>,
        %broadcast_in_dim3A_183 = arith.constant 2 : i32
        %broadcast_in_dim3A_184 = vector.broadcast %broadcast_in_dim3A_183 : i32 to vector<16xi32>
        %gather3A_185 = tpu.vector_load_idx %arg18[%add3A_176, %broadcast_in_dim3A_184] : memref<2048x8xf32, #tpu.memory_space<vmem>>[vector<16xi32>, vector<16xi32>], vector<16xf32>,
        %broadcast_in_dim3A_186 = arith.constant 0 : i32
        %broadcast_in_dim3A_187 = vector.broadcast %broadcast_in_dim3A_186 : i32 to vector<16xi32>
        %gather3A_188 = tpu.vector_load_idx %arg19[%add3A_176, %broadcast_in_dim3A_187] : memref<2048x8xf32, #tpu.memory_space<vmem>>[vector<16xi32>, vector<16xi32>], vector<16xf32>,
        %broadcast_in_dim3A_189 = arith.constant 1 : i32
        %broadcast_in_dim3A_190 = vector.broadcast %broadcast_in_dim3A_189 : i32 to vector<16xi32>
        %gather3A_191 = tpu.vector_load_idx %arg19[%add3A_176, %broadcast_in_dim3A_190] : memref<2048x8xf32, #tpu.memory_space<vmem>>[vector<16xi32>, vector<16xi32>], vector<16xf32>,
        %broadcast_in_dim3A_192 = arith.constant 2 : i32
        %broadcast_in_dim3A_193 = vector.broadcast %broadcast_in_dim3A_192 : i32 to vector<16xi32>
        %gather3A_194 = tpu.vector_load_idx %arg19[%add3A_176, %broadcast_in_dim3A_193] : memref<2048x8xf32, #tpu.memory_space<vmem>>[vector<16xi32>, vector<16xi32>], vector<16xf32>,
        %broadcast_in_dim3A_195 = arith.constant 0 : i32
        %broadcast_in_dim3A_196 = vector.broadcast %broadcast_in_dim3A_195 : i32 to vector<16xi32>
        %gather3A_197 = tpu.vector_load_idx %arg20[%add3A_176, %broadcast_in_dim3A_196] : memref<2048x8xf32, #tpu.memory_space<vmem>>[vector<16xi32>, vector<16xi32>], vector<16xf32>,
        %broadcast_in_dim3A_198 = arith.constant 1 : i32
        %broadcast_in_dim3A_199 = vector.broadcast %broadcast_in_dim3A_198 : i32 to vector<16xi32>
        %gather3A_200 = tpu.vector_load_idx %arg20[%add3A_176, %broadcast_in_dim3A_199] : memref<2048x8xf32, #tpu.memory_space<vmem>>[vector<16xi32>, vector<16xi32>], vector<16xf32>,
        %broadcast_in_dim3A_201 = arith.constant 2 : i32
        %broadcast_in_dim3A_202 = vector.broadcast %broadcast_in_dim3A_201 : i32 to vector<16xi32>
        %gather3A_203 = tpu.vector_load_idx %arg20[%add3A_176, %broadcast_in_dim3A_202] : memref<2048x8xf32, #tpu.memory_space<vmem>>[vector<16xi32>, vector<16xi32>], vector<16xf32>,
        %mul3A_204 = arith.mulf %gather3A_191, %gather3A_203 : vector<16xf32>
        %mul3A_205 = arith.mulf %gather3A_194, %gather3A_200 : vector<16xf32>
        %sub3A_206 = arith.subf %mul3A_204, %mul3A_205 : vector<16xf32>
        %mul3A_207 = arith.mulf %gather3A_179, %sub3A_206 : vector<16xf32>
        %mul3A_208 = arith.mulf %gather3A_194, %gather3A_197 : vector<16xf32>
        %mul3A_209 = arith.mulf %gather3A_188, %gather3A_203 : vector<16xf32>
        %sub3A_210 = arith.subf %mul3A_208, %mul3A_209 : vector<16xf32>
        %mul3A_211 = arith.mulf %gather3A_182, %sub3A_210 : vector<16xf32>
        %add3A_212 = arith.addf %mul3A_207, %mul3A_211 : vector<16xf32>
        %mul3A_213 = arith.mulf %gather3A_188, %gather3A_200 : vector<16xf32>
        %mul3A_214 = arith.mulf %gather3A_191, %gather3A_197 : vector<16xf32>
        %sub3A_215 = arith.subf %mul3A_213, %mul3A_214 : vector<16xf32>
        %mul3A_216 = arith.mulf %gather3A_185, %sub3A_215 : vector<16xf32>
        %add3A_217 = arith.addf %add3A_212, %mul3A_216 : vector<16xf32>
        %add3A_218 = arith.addf %add3A_166, %add3A_217 : vector<16xf32>
        scf.yield %add3A_218 : vector<16xf32>
      }
      %scan3A_112 = arith.constant 32 : i32
      %reduce_sum3A = arith.constant true
      %reduce_sum3A_113 = vector.broadcast %reduce_sum3A : i1 to vector<16xi1>
      %reduce_sum3A_114 = tpu.scan <sum>, %scan3A_111 masked %reduce_sum3A_113 : vector<16xf32>, vector<16xi1> -> vector<16xf32>
      %reduce_sum3A_115 = vector.extract %reduce_sum3A_114[15] : f32 from vector<16xf32>
      %abs3A = math.absf %reduce_sum3A_115 : f32
      %add3A_116 = arith.addf %scan3A_104, %abs3A : f32
      scf.yield %add3A_116 : f32
    }
    %scan3A_96 = arith.constant 4 : i32
    %iota3A = tpu.iota {dimensions = array<i32: 0>} : vector<16xi32>
    %eq3A = arith.constant 0 : i32
    %eq3A_97 = vector.broadcast %eq3A : i32 to vector<16xi32>
    %eq3A_98 = arith.cmpi eq, %iota3A, %eq3A_97 : vector<16xi32>
    %mul3A_99 = arith.constant 1.000000e+03 : f32
    %mul3A_100 = arith.mulf %scan3A_95, %mul3A_99 : f32
    %jit3A = arith.constant 0.000000e+00 : f32
    %broadcast_in_dim3A = vector.broadcast %mul3A_100 : f32 to vector<16xf32>
    %broadcast_in_dim3A_101 = vector.broadcast %jit3A : f32 to vector<16xf32>
    %select_n3A = arith.select %eq3A_98, %broadcast_in_dim3A, %broadcast_in_dim3A_101 : vector<16xi1>, vector<16xf32>
    %swap3A = arith.constant 0 : index
    %swap3A_102 = tpu.vector_load %arg21[%swap3A] {strides = array<i32>} : memref<16xf32, #tpu.memory_space<vmem>>, vector<16xf32>,
    tpu.vector_store %arg21[%swap3A], %select_n3A {strides = array<i32>} : memref<16xf32, #tpu.memory_space<vmem>>, vector<16xf32>,
    "tpu.region"() ({
      %run_scoped3A = tpu.sem_alloc : memref<!tpu.dma_semaphore, #tpu.memory_space<semaphore_mem>>
      %dma_start3A_103 = arith.constant 0 : i32
      %dma_start3A_104 = tpu.memref_slice %arg7[%add3A, %dma_start3A_103] : memref<32x16xf32, #tpu.memory_space<hbm>> -> memref<1x16xf32, #tpu.memory_space<hbm>>
      %dma_start3A_105 = tpu.memref_squeeze %dma_start3A_104 : memref<1x16xf32, #tpu.memory_space<hbm>> -> memref<16xf32, #tpu.memory_space<hbm>>
      %dma_start3A_106 = arith.constant 0 : i32
      %dma_start3A_107 = tpu.memref_slice %arg7[%add3A, %dma_start3A_106] : memref<32x16xf32, #tpu.memory_space<hbm>> -> memref<1x16xf32, #tpu.memory_space<hbm>>
      %dma_start3A_108 = tpu.memref_squeeze %dma_start3A_107 : memref<1x16xf32, #tpu.memory_space<hbm>> -> memref<16xf32, #tpu.memory_space<hbm>>
      tpu.enqueue_dma source(%arg21 : memref<16xf32, #tpu.memory_space<vmem>>) target(%dma_start3A_108 : memref<16xf32, #tpu.memory_space<hbm>>) target_semaphore(%run_scoped3A : memref<!tpu.dma_semaphore, #tpu.memory_space<semaphore_mem>>)
      %dma_wait3A_109 = arith.constant 0 : i32
      %dma_wait3A_110 = tpu.memref_slice %arg7[%add3A, %dma_wait3A_109] : memref<32x16xf32, #tpu.memory_space<hbm>> -> memref<1x16xf32, #tpu.memory_space<hbm>>
      %dma_wait3A_111 = tpu.memref_squeeze %dma_wait3A_110 : memref<1x16xf32, #tpu.memory_space<hbm>> -> memref<16xf32, #tpu.memory_space<hbm>>
      %dma_wait3A_112 = arith.constant 0 : i32
      %dma_wait3A_113 = tpu.memref_slice %arg7[%add3A, %dma_wait3A_112] : memref<32x16xf32, #tpu.memory_space<hbm>> -> memref<1x16xf32, #tpu.memory_space<hbm>>
      %dma_wait3A_114 = tpu.memref_squeeze %dma_wait3A_113 : memref<1x16xf32, #tpu.memory_space<hbm>> -> memref<16xf32, #tpu.memory_space<hbm>>
      tpu.wait_dma2 semaphore(%run_scoped3A : memref<!tpu.dma_semaphore, #tpu.memory_space<semaphore_mem>>) src(%arg21 : memref<16xf32, #tpu.memory_space<vmem>>) dst(%dma_wait3A_114 : memref<16xf32, #tpu.memory_space<hbm>>)
      tpu.yield
    }) : () -> ()
    return
  }
}

</mosaic_0001>

<sc_bundles>
// kernel: kernel.4.cloned.1.call-start
scs
__scs_entry_jumppad:
0x0: {  	(pc) =	sbr.rel $0x88, $3  }
0x1: {  	(tag) =	ssettag $0x0;
	lr =	simm.s32 $0x1  }
0x2: {  	[smem:$0x3F9E] =	sst lr;
	_ =	strace $0xD0000000  }
0x3: {  	_ = 	snop  }
0x4: {  	_ = 	snop  }
0x5: {  	_ = 	snop  }
0x6: {  	_ = 	snop  }
0x7: {  	_ = 	snop  }
__scs_overlays_trampoline_lowered:
0x8: {  	[smem:$0x3FAD] =	sst s0  }
0x9: {  	[smem:$0x3FAE] =	sst s1  }
0xa: {  	[smem:$0x3FAF] =	sst s2  }
0xb: {  	[smem:$0x3FB0] =	sst s3  }
0xc: {  	[smem:$0x3FB1] =	sst s4  }
0xd: {  	[smem:$0x3FB2] =	sst s5  }
0xe: {  	[smem:$0x3FB3] =	sst s6  }
0xf: {  	[smem:$0x3FB4] =	sst s7  }
0x10: {  	[smem:$0x3FB5] =	sst s8  }
0x11: {  	[smem:$0x3FB6] =	sst s9;
	s0 =	simm.s32 @!p0 $0x0  }
0x12: {  	s1 =	sld [smem:$0x3F9C];
	s0 =	simm.s32 @p0 $0x1  }
0x13: {  	[smem:$0x3FB7] =	sst s0;
	s0 =	simm.s32 @!p1 $0x0  }
0x14: {  	s2 =	sld [smem:$0x3F9B];
	s0 =	simm.s32 @p1 $0x1  }
0x15: {  	[smem:$0x3FB8] =	sst s0;
	s0 =	simm.s32 @!p2 $0x0  }
0x16: {  	s3 =	sld [smem:$0x3FDB];
	s0 =	simm.s32 @p2 $0x1  }
0x17: {  	s4 =	simm.s32 $0x1BF5;
	[smem:$0x3FBA] =	sst s0  }
0x18: {  	s0 =	sld [smem:$0x3F9D];
	_ =	swait.ge [sflag:s4], $0x0  }
0x19: {  	s7 =	sld [smem:$0x3F9E]  }
0x1a: {  	s8 =	sadd.s32 $0xFFFFE003, lr  }
0x1b: {  	s9 =	sadd.s32 $0xFFFFFEF7, lr;
	s5 =	simm.s32 $0xFFFFFFFF;
	p2 =	slt.u32 s8, $0xFFFFF086  }
0x1c: {  	p1 =	slt.u32 s9, $0xF7A;
	s5 =	simm.s32 @!p2 $0x0  }
0x1d: {  	s5 =	simm.s32 @p1 $0x1;
	p0 =	seq.s32 s7, s2  }
0x1e: {  	s7 =	smul.u32 @!p0 $0xF7A, s2;
	p2 =	seq.s32 @!p0 s5, $0x0  }
0x1f: {  	s9 =	smul.u32 $0xF7A, s1;
	s8 =	simm.s32 @!p0 $0x1BF5;
	p2 =	por !p2, p0  }
0x20: {  	[sflag:s8] =	ssyncset.s32 @!p0 $0xFFFFF086;
	s6 =	sadd.s32 @!p0 s3, s7;
	s7 =	simm.s32 @!p0 $0x108  }
0x21: {  	s3 =	sadd.s32 s3, s9;
	s6 =	sadd.s32 @!p0 $0x88, s6;
	s7 =	simm.s32 @p2 $0x1082  }
0x22: {  	[simem:s7], [sflag:s8] =	dma.local @!p0 [hbm:s6], $0xF7A  }
0x23: {  	s9 =	sor.u32 $0xD0000000, s2;
	s6 =	simm.s32 $0x108;
	_ =	swait.ge @!p0 [sflag:s8], $0x0  }
0x24: {  	s3 =	sadd.s32 $0x88, s3;
	s6 =	simm.s32 @!p1 $0x1082;
	[sflag:s4] =	ssyncset.s32 $0xFFFFF086  }
0x25: {  	[simem:s6], [sflag:s4] =	dma.local [hbm:s3], $0xF7A  }
0x26: {  	[smem:$0x3F9E] =	sst s1;
	(tag) =	ssettag s2;
	_ =	strace s9  }
0x27: {  	s1 =	sld [smem:$0x3FAE]  }
0x28: {  	s2 =	sld [smem:$0x3FAF]  }
0x29: {  	s4 =	sld [smem:$0x3FB1]  }
0x2a: {  	p0 =	seq.s32 s5, $0x0;
	s5 =	sld [smem:$0x3FB2]  }
0x2b: {  	s6 =	sld [smem:$0x3FB3]  }
0x2c: {  	s7 =	sld [smem:$0x3FB4]  }
0x2d: {  	s3 =	simm.s32 $0x108;
	s8 =	sld [smem:$0x3FB5]  }
0x2e: {  	s3 =	simm.s32 @!p0 $0x1082;
	s9 =	sld [smem:$0x3FB6]  }
0x2f: {  	lr =	sadd.s32 s0, s3;
	s0 =	sld [smem:$0x3FAD]  }
0x30: {  	s3 =	sld [smem:$0x3FB0]  }
0x31: {  	[smem:$0x3FB9] =	sst s10  }
0x32: {  	s10 =	sld [smem:$0x3FB7];
	_ =	sdelay $0x3  }
0x33: {  	p0 =	seq.s32 s10, $0x1;
	s10 =	sld [smem:$0x3FB9];
	_ =	sdelay $0x3  }
0x34: {  	[smem:$0x3FB9] =	sst s10  }
0x35: {  	s10 =	sld [smem:$0x3FB8];
	_ =	sdelay $0x3  }
0x36: {  	p1 =	seq.s32 s10, $0x1;
	s10 =	sld [smem:$0x3FB9];
	_ =	sdelay $0x3  }
0x37: {  	[smem:$0x3FB9] =	sst s10  }
0x38: {  	s10 =	sld [smem:$0x3FBA]  }
0x39: {  	_ = 	snop;
	(pc) =	sbr.ind lr, $3  }
0x3a: {  	_ = 	snop  }
0x3b: {  	_ = 	snop  }
0x3c: {  	p2 =	seq.s32 s10, $0x1;
	s10 =	sld [smem:$0x3FB9]  }
0x3d: {  	_ =	shalt  }
0x3e: {  	_ =	shalt  }
0x3f: {  	_ =	shalt  }
0x40: {  	_ =	shalt  }
0x41: {  	_ =	shalt  }
0x42: {  	_ =	shalt  }
0x43: {  	_ =	shalt  }
0x44: {  	_ =	shalt  }
0x45: {  	_ =	shalt  }
0x46: {  	_ =	shalt  }
0x47: {  	_ =	shalt  }
0x48: {  	_ =	shalt  }
0x49: {  	_ =	shalt  }
0x4a: {  	_ =	shalt  }
0x4b: {  	_ =	shalt  }
0x4c: {  	_ =	shalt  }
0x4d: {  	_ =	shalt  }
0x4e: {  	_ =	shalt  }
0x4f: {  	_ =	shalt  }
0x50: {  	_ =	shalt  }
0x51: {  	_ =	shalt  }
0x52: {  	_ =	shalt  }
0x53: {  	_ =	shalt  }
0x54: {  	_ =	shalt  }
0x55: {  	_ =	shalt  }
0x56: {  	_ =	shalt  }
0x57: {  	_ =	shalt  }
0x58: {  	_ =	shalt  }
0x59: {  	_ =	shalt  }
0x5a: {  	_ =	shalt  }
0x5b: {  	_ =	shalt  }
0x5c: {  	_ =	shalt  }
0x5d: {  	_ =	shalt  }
0x5e: {  	_ =	shalt  }
0x5f: {  	_ =	shalt  }
0x60: {  	_ =	shalt  }
0x61: {  	_ =	shalt  }
0x62: {  	_ =	shalt  }
0x63: {  	_ =	shalt  }
0x64: {  	_ =	shalt  }
0x65: {  	_ =	shalt  }
0x66: {  	_ =	shalt  }
0x67: {  	_ =	shalt  }
0x68: {  	_ =	shalt  }
0x69: {  	_ =	shalt  }
0x6a: {  	_ =	shalt  }
0x6b: {  	_ =	shalt  }
0x6c: {  	_ =	shalt  }
0x6d: {  	_ =	shalt  }
0x6e: {  	_ =	shalt  }
0x6f: {  	_ =	shalt  }
0x70: {  	_ =	shalt  }
0x71: {  	_ =	shalt  }
0x72: {  	_ =	shalt  }
0x73: {  	_ =	shalt  }
0x74: {  	_ =	shalt  }
0x75: {  	_ =	shalt  }
0x76: {  	_ =	shalt  }
0x77: {  	_ =	shalt  }
0x78: {  	_ =	shalt  }
0x79: {  	_ =	shalt  }
0x7a: {  	_ =	shalt  }
0x7b: {  	_ =	shalt  }
0x7c: {  	_ =	shalt  }
0x7d: {  	_ =	shalt  }
0x7e: {  	_ =	shalt  }
0x7f: {  	_ =	shalt  }
0x80: {  	_ =	shalt  }
0x81: {  	_ =	shalt  }
0x82: {  	_ =	shalt  }
0x83: {  	_ =	shalt  }
0x84: {  	_ =	shalt  }
0x85: {  	_ =	shalt  }
0x86: {  	_ =	shalt  }
0x87: {  	_ =	shalt  }
.Lfunc_end0:
.L_simem_size_0:
called_computation_lowered:
.L_overlay_start_0:
0x88: {  	s2 =	sld [smem:$0x3FD9]  }
0x89: {  	s3 =	sld [smem:$0x3FFE];
	_ =	sdelay $0x1  }
0x8a: {  	s1 =	srdreg.scid  }
0x8b: {  	s0 =	sand.u32 $0x1, s1  }
0x8c: {  	s16 =	sshll.u32 s0, $0xA;
	s2 =	sadd.s32 s3, s2  }
0x8d: {  	s2 =	sadd.s32 s2, s16  }
0x8e: {  	[smem:$0x3FC5] =	sst s2  }
0x8f: {  	_ = 	snop  }
0x90: {  	(tm) =	ssettm $0x1  }
0x91: {  	s17 =	sld [smem:$0x3FFB];
	_ =	sdelay $0x3  }
0x92: {  	_ =	strace s17  }
0x93: {  	s2 =	sld [smem:$0x3FFC];
	_ =	sdelay $0x3  }
0x94: {  	_ =	strace s2  }
0x95: {  	s2 =	sld [smem:$0x3FFD];
	_ =	sdelay $0x3  }
0x96: {  	_ =	strace s2  }
0x97: {  	_ =	strace $0x8FFFFFFF  }
0x98: {  	s18 =	sld [smem:$0x3FDB];
	_ =	sdelay $0x1  }
0x99: {  	s19 =	simm.s32 $_scs_section_size  }
0x9a: {  	s4 =	simm.s32 $_size__tile_overlayer_lowered;
	s5 =	simm.s32 $_tile_overlayer_lowered  }
0x9b: {  	s22 =	simm.s32 $0x1BFF;
	s21 =	sshll.u32 s5, $0x1;
	s2 =	sadd.s32 s19, s18  }
0x9c: {  	s6 =	simm.s32 $0x0;
	s20 =	sshll.u32 s4, $0x1;
	s4 =	sadd.s32 s21, s2  }
0x9d: {  	[timem:s6], [sflag:s22] =	dma.local [hbm:s4], s20  }
0x9e: {  	_ =	swait.ge [sflag:s22], s20  }
0x9f: {  	s3 =	ssub.s32 $0x0, s20;
	[sflag:s22] =	ssyncset.done $0x0  }
0xa0: {  	[sflag:s22] =	ssyncadd.s32 s3;
	_ =	sdelay $0x1  }
0xa1: {  	s23 =	simm.s32 $0x1B8B  }
0xa2: {  	_ =	swait.ge [sflag:s23], $0x1  }
0xa3: {  	[sflag:s23] =	ssyncset.done $0x0  }
0xa4: {  	s25 =	simm.s32 $0x1B8E;
	s24 =	sld [smem:$0x3FFE];
	[sflag:s23] =	ssyncadd.s32 $0xFFFFFFFF  }
0xa5: {  	s26 =	simm.s32 $execute0_lowered;
	[smem:$0x3FD2] =	sst s25  }
0xa6: {  	s4 =	sshll.u32 s26, $0x1;
	_ =	strace $0x80000046;
	[dreg:$0x1] =	wrdreg $0xFFFFFFFF  }
0xa7: {  	s28 =	simm.s32 $_size_execute0_lowered;
	s2 =	sadd.s32 s2, s4;
	[dreg:$0x0] =	wrdreg $0x0  }
0xa8: {  	s4 =	sshll.u32 s28, $0x1;
	[dreg:$0x2] =	wrdreg s2  }
0xa9: {  	[dreg:$0x3] =	wrdreg s4  }
0xaa: {  	[dreg:$0x4] =	wrdreg $0xC0  }
0xab: {  	_ =	task [dreg:s6], $0x5FFFF  }
0xac: {  	[dreg:$0x1] =	wrdreg $0xFFFFFFFF  }
0xad: {  	[dreg:$0x0] =	wrdreg $0x60  }
0xae: {  	[dreg:$0x2] =	wrdreg s24  }
0xaf: {  	[dreg:$0x3] =	wrdreg $0x9  }
0xb0: {  	_ =	task.clear_ibuf [dreg:s6], $0x4FFFF;
	_ =	strace $0x90000046  }
0xb1: {  	s29 =	simm.s32 $0x9;
	_ =	strace $0x80000048  }
0xb2: {  	_ =	swait.ge [sflag:s29], $0x1  }
0xb3: {  	[sflag:s29] =	ssyncadd.s32 $0xFFFFFFFF  }
0xb4: {  	_ =	strace $0x90000048  }
0xb5: {  	_ =	sfence  }
0xb6: {  	s30 =	sld [smem:$0x0];
	_ =	sdelay $0x2  }
0xb7: {  	s31 =	sshll.u32 s1, $0xD;
	s1 =	sshrl.u32 s1, $0x2  }
0xb8: {  	s3 =	sand.u32 $0x4000, s31;
	s1 =	sadd.s32 s1, s30  }
0xb9: {  	s0 =	sor.u32 s3, s0;
	s1 =	sshll.u32 s1, $0x11  }
0xba: {  	s0 =	sor.u32 s1, s0  }
0xbb: {  	s0 =	sadd.s32 $0x8F2B, s0  }
0xbc: {  	[sflag:s0] =	ssyncadd.remote.s32 $0x1  }
0xbd: {  	_ =	sfence.sel $0xFFFF  }
0xbe: {  	[dreg:$0x0] =	wrdreg $0xFFFFFFFF;
	(pc) =	sbr.abs _section_cstart, $3  }
0xbf: {  	[dreg:$0x1] =	wrdreg $0xFFFFFFFF  }
0xc0: {  	_ =	task.clear_ibuf [dreg:s6], $0x2FFFF;
	_ =	strace $0x9FFFFFFF  }
0xc1: {  	(tm) =	ssettm $0x7FFFFFFF  }
tec
execute0_lowered:
.L_overlay_start_1:
0x0: {  	(tag) =	ssettag $0x1  }
0x1: {  	s3 =	rddreg [dreg:$0x0]  }
0x2: {  	s0 =	rddreg [dreg:$0x1];
	s1 =	simm.s32 $0x0  }
0x3: {  	s2 =	srdreg.scid;
	s10 =	simm.s32 $0x2000;
	s11 =	simm.s32 $0x3000  }
0x4: {  	s12 =	simm.s32 $0x0;
	[smem:$0x7FF] =	sst s1;
	s4 =	sand.u32 $0x1, s2  }
0x5: {  	s2 =	stileid.u32;
	_ =	strace $0x80000047;
	s4 =	ssub.s32 $0x2, s4  }
0x6: {  	s5 =	sshll.u32 s2, $0xC;
	s7 =	sshll.u32 s2, $0x9;
	s6 =	sshrl.u32 s4, $0x1  }
0x7: {  	s8 =	sadd.s32 s5, s3;
	s3 =	sadd.s32 s3, s7;
	s9 =	ssub.s32 s4, s6  }
0x8: {  	v0 =	vlaneseq.u32;
	s4 =	sadd.s32 $0x4000, s3;
	s5 =	sadd.s32 $0x2000, s3;
	s6 =	sadd.s32 $0x6000, s8  }
0x9: {  	v0 =	vmul.u32 $0x8, v0;
	s8 =	simm.s32 $0x1;
	s7 =	smax.u32 s9, $0x1;
	s9 =	simm.s32 $0x1000  }
.LBB2_1:
0xa: {  	[tilespmem:s1], [sflag:$0x1] =	stream.linear.gather [hbm4b:s4+s1], $0x1000, $0x38;
	[tilespmem:$0xB000] =	vst v63  }
0xb: {  	_ =	swait.ge [sflag:s8], $0x1000  }
0xc: {  	[sflag:s8] =	ssyncset.done $0x0  }
0xd: {  	[sflag:s8] =	ssyncadd.s32 $0xFFFFF000  }
0xe: {  	[tilespmem:s9], [sflag:$0x1] =	stream.linear.gather [hbm4b:s5+s1], $0x1000, $0x38;
	[tilespmem:$0xB000] =	vst v63  }
0xf: {  	_ =	swait.ge [sflag:s8], $0x1000  }
0x10: {  	[sflag:s8] =	ssyncset.done $0x0  }
0x11: {  	[sflag:s8] =	ssyncadd.s32 $0xFFFFF000  }
0x12: {  	[tilespmem:s10], [sflag:$0x1] =	stream.linear.gather [hbm4b:s3+s1], $0x1000, $0x38;
	[tilespmem:$0xB000] =	vst v63  }
0x13: {  	_ =	swait.ge [sflag:s8], $0x1000  }
0x14: {  	v1 =	vmov s1;
	[sflag:s8] =	ssyncset.done $0x0  }
0x15: {  	s13 =	simm.s32 $0x1010;
	v1 =	vshll.u32 v1, $0x3;
	[sflag:s8] =	ssyncadd.s32 $0xFFFFF000  }
0x16: {  	v1 =	vor.u32 v0, v1;
	v2 =	vld [tilespmem:s13+$0xFFFFEFF0];
	_ =	sdelay $0x4  }
0x17: {  	[tilespmem:v1+s11+$0x0] =	vst.idx.msk $0xffff, v2  }
0x18: {  	v3 =	vor.u32 $0x1, v1;
	v2 =	vld [tilespmem:s13+$0xFFFFFFF0];
	_ =	sdelay $0x4  }
0x19: {  	[tilespmem:v3+s11+$0x0] =	vst.idx.msk $0xffff, v2  }
0x1a: {  	v1 =	vor.u32 $0x2, v1;
	v2 =	vld [tilespmem:s13+$0xFF0];
	_ =	sdelay $0x2  }
0x1b: {  	s14 =	simm.s32 $0x10  }
0x1c: {  	v3 =	vmov s14  }
0x1d: {  	[tilespmem:v1+s11+$0x0] =	vst.idx.msk $0xffff, v2;
	v1 =	vshll.u32 v3, $0x3  }
0x1e: {  	v2 =	vld [tilespmem:s13+$0xFFFFF000];
	v3 =	vor.u32 v0, v1;
	_ =	sdelay $0x4  }
0x1f: {  	[tilespmem:v3+s11+$0x0] =	vst.idx.msk $0xffff, v2  }
0x20: {  	v2 =	vor.u32 $0x1, v3;
	v1 =	vld [tilespmem:s13+$0x0];
	_ =	sdelay $0x4  }
0x21: {  	[tilespmem:v2+s11+$0x0] =	vst.idx.msk $0xffff, v1  }
0x22: {  	v2 =	vor.u32 $0x2, v3;
	v1 =	vld [tilespmem:s13+$0x1000];
	_ =	sdelay $0x2  }
0x23: {  	s15 =	simm.s32 $0x20;
	s14 =	simm.s32 $0x0  }
.LBB2_2:
0x24: {  	v3 =	vmov s15;
	s14 =	sadd.s32 $0x2, s14  }
0x25: {  	s13 =	sadd.s32 $0x20, s13;
	v3 =	vshll.u32 v3, $0x3;
	p0 =	slt.u32 s14, $0xFE;
	[tilespmem:v2+s11+$0x0] =	vst.idx.msk $0xffff, v1  }
0x26: {  	v1 =	vld [tilespmem:s13+$0xFFFFEFF0];
	v2 =	vor.u32 v0, v3;
	_ =	sdelay $0x4  }
0x27: {  	[tilespmem:v2+s11+$0x0] =	vst.idx.msk $0xffff, v1  }
0x28: {  	v3 =	vor.u32 $0x1, v2;
	v1 =	vld [tilespmem:s13+$0xFFFFFFF0];
	_ =	sdelay $0x4  }
0x29: {  	[tilespmem:v3+s11+$0x0] =	vst.idx.msk $0xffff, v1  }
0x2a: {  	v2 =	vor.u32 $0x2, v2;
	v1 =	vld [tilespmem:s13+$0xFF0];
	_ =	sdelay $0x2  }
0x2b: {  	s16 =	sadd.s32 $0x10, s15  }
0x2c: {  	v3 =	vmov s16  }
0x2d: {  	[tilespmem:v2+s11+$0x0] =	vst.idx.msk $0xffff, v1;
	v1 =	vshll.u32 v3, $0x3  }
0x2e: {  	v2 =	vld [tilespmem:s13+$0xFFFFF000];
	v3 =	vor.u32 v0, v1;
	_ =	sdelay $0x4  }
0x2f: {  	[tilespmem:v3+s11+$0x0] =	vst.idx.msk $0xffff, v2  }
0x30: {  	v2 =	vor.u32 $0x1, v3;
	v1 =	vld [tilespmem:s13+$0x0];
	_ =	sdelay $0x4  }
.Ltmp0:
0x31: {  	[tilespmem:v2+s11+$0x0] =	vst.idx.msk $0xffff, v1;
	(pc) =	sbr.rel @p0 .LBB2_2-.Ltmp0, $2  }
0x32: {  	v2 =	vor.u32 $0x2, v3;
	v1 =	vld [tilespmem:s13+$0x1000];
	_ =	sdelay $0x2  }
0x33: {  	s15 =	sadd.s32 $0x20, s15  }
0x34: {  	_ =	sdelay $0x1  }
0x35: {  	s12 =	sadd.s32 $0x1, s12  }
0x36: {  	p0 =	sne.s32 s12, s7  }
.Ltmp1:
0x37: {  	[tilespmem:v2+s11+$0x0] =	vst.idx.msk $0xffff, v1;
	(pc) =	sbr.rel @p0 .LBB2_1-.Ltmp1, $4  }
0x38: {  	[hbm4b:s6+s1] =	stream.linear.scatter [tilespmem:s11], [sflag:$0x1], $0x8000, $0x38;
	[tilespmem:$0xB000] =	vst v63  }
0x39: {  	_ =	swait.ge [sflag:s8], $0x8000  }
0x3a: {  	[sflag:s8] =	ssyncset.done $0x0  }
0x3b: {  	[sflag:s8] =	ssyncadd.s32 $0xFFFF8000  }
0x3c: {  	_ =	sfence.sel $0x180000  }
0x3d: {  	[bflag:$0x0] =	sbarrier.arrive $0xFFFF  }
0x3e: {  	p0 =	sne.s32 s2, $0x0;
	_ =	strace $0x90000047  }
0x3f: {  	s0 =	sadd.s32 @!p0 $0x100000, s0;
	[bflag:$0x2] =	sbarrier.arrive $0xFFFF  }
0x40: {  	[sflag:s0] =	ssyncadd.tile.s32 @!p0 $0x1;
	_ =	shalt  }
.Lfunc_end2:
_tile_overlayer_lowered:
.L_overlay_start_2:
0x41: {  	(tag) =	ssettag $0x2  }
0x42: {  	s0 =	rddreg [dreg:$0x0];
	s2 =	stileid.u32  }
0x43: {  	s1 =	rddreg [dreg:$0x1];
	p0 =	sne.s32 s2, $0x0  }
0x44: {  	s3 =	rddreg [dreg:$0x2];
	[bflag:$0x3] =	sbarrier.arrive $0xFFFF;
	s2 =	simm.s32 @!p0 $0x1C01  }
0x45: {  	[timem:s3], [sflag:s2] =	dma.local @!p0 [hbm:s0], s1  }
0x46: {  	s0 =	simm.s32 @!p0 $0x1  }
0x47: {  	_ =	swait.ge @!p0 [sflag:s0], s1  }
0x48: {  	s1 =	ssub.s32 @!p0 $0x0, s1;
	[sflag:s0] =	ssyncset.done @!p0 $0x0  }
0x49: {  	[sflag:s0] =	ssyncadd.s32 @!p0 s1  }
0x4a: {  	[bflag:$0x3] =	sbarrier.arrive $0xFFFF  }
0x4b: {  	_ =	shalt  }

// kernel: kernel.7.cloned.1.call-start
scs
__scs_entry_jumppad:
0x0: {  	(pc) =	sbr.rel $0x88, $3  }
0x1: {  	(tag) =	ssettag $0x0;
	lr =	simm.s32 $0x1  }
0x2: {  	[smem:$0x3F9E] =	sst lr;
	_ =	strace $0xD0000000  }
0x3: {  	_ = 	snop  }
0x4: {  	_ = 	snop  }
0x5: {  	_ = 	snop  }
0x6: {  	_ = 	snop  }
0x7: {  	_ = 	snop  }
__scs_overlays_trampoline_lowered:
0x8: {  	[smem:$0x3FAD] =	sst s0  }
0x9: {  	[smem:$0x3FAE] =	sst s1  }
0xa: {  	[smem:$0x3FAF] =	sst s2  }
0xb: {  	[smem:$0x3FB0] =	sst s3  }
0xc: {  	[smem:$0x3FB1] =	sst s4  }
0xd: {  	[smem:$0x3FB2] =	sst s5  }
0xe: {  	[smem:$0x3FB3] =	sst s6  }
0xf: {  	[smem:$0x3FB4] =	sst s7  }
0x10: {  	[smem:$0x3FB5] =	sst s8  }
0x11: {  	[smem:$0x3FB6] =	sst s9;
	s0 =	simm.s32 @!p0 $0x0  }
0x12: {  	s1 =	sld [smem:$0x3F9C];
	s0 =	simm.s32 @p0 $0x1  }
0x13: {  	[smem:$0x3FB7] =	sst s0;
	s0 =	simm.s32 @!p1 $0x0  }
0x14: {  	s2 =	sld [smem:$0x3F9B];
	s0 =	simm.s32 @p1 $0x1  }
0x15: {  	[smem:$0x3FB8] =	sst s0;
	s0 =	simm.s32 @!p2 $0x0  }
0x16: {  	s3 =	sld [smem:$0x3FDB];
	s0 =	simm.s32 @p2 $0x1  }
0x17: {  	s4 =	simm.s32 $0x1BF5;
	[smem:$0x3FBA] =	sst s0  }
0x18: {  	s0 =	sld [smem:$0x3F9D];
	_ =	swait.ge [sflag:s4], $0x0  }
0x19: {  	s7 =	sld [smem:$0x3F9E]  }
0x1a: {  	s8 =	sadd.s32 $0xFFFFE003, lr  }
0x1b: {  	s9 =	sadd.s32 $0xFFFFFEF7, lr;
	s5 =	simm.s32 $0xFFFFFFFF;
	p2 =	slt.u32 s8, $0xFFFFF086  }
0x1c: {  	p1 =	slt.u32 s9, $0xF7A;
	s5 =	simm.s32 @!p2 $0x0  }
0x1d: {  	s5 =	simm.s32 @p1 $0x1;
	p0 =	seq.s32 s7, s2  }
0x1e: {  	s7 =	smul.u32 @!p0 $0xF7A, s2;
	p2 =	seq.s32 @!p0 s5, $0x0  }
0x1f: {  	s9 =	smul.u32 $0xF7A, s1;
	s8 =	simm.s32 @!p0 $0x1BF5;
	p2 =	por !p2, p0  }
0x20: {  	[sflag:s8] =	ssyncset.s32 @!p0 $0xFFFFF086;
	s6 =	sadd.s32 @!p0 s3, s7;
	s7 =	simm.s32 @!p0 $0x108  }
0x21: {  	s3 =	sadd.s32 s3, s9;
	s6 =	sadd.s32 @!p0 $0x88, s6;
	s7 =	simm.s32 @p2 $0x1082  }
0x22: {  	[simem:s7], [sflag:s8] =	dma.local @!p0 [hbm:s6], $0xF7A  }
0x23: {  	s9 =	sor.u32 $0xD0000000, s2;
	s6 =	simm.s32 $0x108;
	_ =	swait.ge @!p0 [sflag:s8], $0x0  }
0x24: {  	s3 =	sadd.s32 $0x88, s3;
	s6 =	simm.s32 @!p1 $0x1082;
	[sflag:s4] =	ssyncset.s32 $0xFFFFF086  }
0x25: {  	[simem:s6], [sflag:s4] =	dma.local [hbm:s3], $0xF7A  }
0x26: {  	[smem:$0x3F9E] =	sst s1;
	(tag) =	ssettag s2;
	_ =	strace s9  }
0x27: {  	s1 =	sld [smem:$0x3FAE]  }
0x28: {  	s2 =	sld [smem:$0x3FAF]  }
0x29: {  	s4 =	sld [smem:$0x3FB1]  }
0x2a: {  	p0 =	seq.s32 s5, $0x0;
	s5 =	sld [smem:$0x3FB2]  }
0x2b: {  	s6 =	sld [smem:$0x3FB3]  }
0x2c: {  	s7 =	sld [smem:$0x3FB4]  }
0x2d: {  	s3 =	simm.s32 $0x108;
	s8 =	sld [smem:$0x3FB5]  }
0x2e: {  	s3 =	simm.s32 @!p0 $0x1082;
	s9 =	sld [smem:$0x3FB6]  }
0x2f: {  	lr =	sadd.s32 s0, s3;
	s0 =	sld [smem:$0x3FAD]  }
0x30: {  	s3 =	sld [smem:$0x3FB0]  }
0x31: {  	[smem:$0x3FB9] =	sst s10  }
0x32: {  	s10 =	sld [smem:$0x3FB7];
	_ =	sdelay $0x3  }
0x33: {  	p0 =	seq.s32 s10, $0x1;
	s10 =	sld [smem:$0x3FB9];
	_ =	sdelay $0x3  }
0x34: {  	[smem:$0x3FB9] =	sst s10  }
0x35: {  	s10 =	sld [smem:$0x3FB8];
	_ =	sdelay $0x3  }
0x36: {  	p1 =	seq.s32 s10, $0x1;
	s10 =	sld [smem:$0x3FB9];
	_ =	sdelay $0x3  }
0x37: {  	[smem:$0x3FB9] =	sst s10  }
0x38: {  	s10 =	sld [smem:$0x3FBA]  }
0x39: {  	_ = 	snop;
	(pc) =	sbr.ind lr, $3  }
0x3a: {  	_ = 	snop  }
0x3b: {  	_ = 	snop  }
0x3c: {  	p2 =	seq.s32 s10, $0x1;
	s10 =	sld [smem:$0x3FB9]  }
0x3d: {  	_ =	shalt  }
0x3e: {  	_ =	shalt  }
0x3f: {  	_ =	shalt  }
0x40: {  	_ =	shalt  }
0x41: {  	_ =	shalt  }
0x42: {  	_ =	shalt  }
0x43: {  	_ =	shalt  }
0x44: {  	_ =	shalt  }
0x45: {  	_ =	shalt  }
0x46: {  	_ =	shalt  }
0x47: {  	_ =	shalt  }
0x48: {  	_ =	shalt  }
0x49: {  	_ =	shalt  }
0x4a: {  	_ =	shalt  }
0x4b: {  	_ =	shalt  }
0x4c: {  	_ =	shalt  }
0x4d: {  	_ =	shalt  }
0x4e: {  	_ =	shalt  }
0x4f: {  	_ =	shalt  }
0x50: {  	_ =	shalt  }
0x51: {  	_ =	shalt  }
0x52: {  	_ =	shalt  }
0x53: {  	_ =	shalt  }
0x54: {  	_ =	shalt  }
0x55: {  	_ =	shalt  }
0x56: {  	_ =	shalt  }
0x57: {  	_ =	shalt  }
0x58: {  	_ =	shalt  }
0x59: {  	_ =	shalt  }
0x5a: {  	_ =	shalt  }
0x5b: {  	_ =	shalt  }
0x5c: {  	_ =	shalt  }
0x5d: {  	_ =	shalt  }
0x5e: {  	_ =	shalt  }
0x5f: {  	_ =	shalt  }
0x60: {  	_ =	shalt  }
0x61: {  	_ =	shalt  }
0x62: {  	_ =	shalt  }
0x63: {  	_ =	shalt  }
0x64: {  	_ =	shalt  }
0x65: {  	_ =	shalt  }
0x66: {  	_ =	shalt  }
0x67: {  	_ =	shalt  }
0x68: {  	_ =	shalt  }
0x69: {  	_ =	shalt  }
0x6a: {  	_ =	shalt  }
0x6b: {  	_ =	shalt  }
0x6c: {  	_ =	shalt  }
0x6d: {  	_ =	shalt  }
0x6e: {  	_ =	shalt  }
0x6f: {  	_ =	shalt  }
0x70: {  	_ =	shalt  }
0x71: {  	_ =	shalt  }
0x72: {  	_ =	shalt  }
0x73: {  	_ =	shalt  }
0x74: {  	_ =	shalt  }
0x75: {  	_ =	shalt  }
0x76: {  	_ =	shalt  }
0x77: {  	_ =	shalt  }
0x78: {  	_ =	shalt  }
0x79: {  	_ =	shalt  }
0x7a: {  	_ =	shalt  }
0x7b: {  	_ =	shalt  }
0x7c: {  	_ =	shalt  }
0x7d: {  	_ =	shalt  }
0x7e: {  	_ =	shalt  }
0x7f: {  	_ =	shalt  }
0x80: {  	_ =	shalt  }
0x81: {  	_ =	shalt  }
0x82: {  	_ =	shalt  }
0x83: {  	_ =	shalt  }
0x84: {  	_ =	shalt  }
0x85: {  	_ =	shalt  }
0x86: {  	_ =	shalt  }
0x87: {  	_ =	shalt  }
.Lfunc_end0:
.L_simem_size_0:
called_computation.1_lowered:
.L_overlay_start_0:
0x88: {  	s2 =	sld [smem:$0x3FD9]  }
0x89: {  	s3 =	sld [smem:$0x3FFE];
	_ =	sdelay $0x1  }
0x8a: {  	s1 =	srdreg.scid  }
0x8b: {  	s0 =	sand.u32 $0x1, s1  }
0x8c: {  	s16 =	sshll.u32 s0, $0xA;
	s2 =	sadd.s32 s3, s2  }
0x8d: {  	s2 =	sadd.s32 s2, s16  }
0x8e: {  	[smem:$0x3FC5] =	sst s2  }
0x8f: {  	_ = 	snop  }
0x90: {  	(tm) =	ssettm $0x1  }
0x91: {  	s17 =	sld [smem:$0x3FFB];
	_ =	sdelay $0x3  }
0x92: {  	_ =	strace s17  }
0x93: {  	s2 =	sld [smem:$0x3FFC];
	_ =	sdelay $0x3  }
0x94: {  	_ =	strace s2  }
0x95: {  	s2 =	sld [smem:$0x3FFD];
	_ =	sdelay $0x3  }
0x96: {  	_ =	strace s2  }
0x97: {  	_ =	strace $0x8FFFFFFF  }
0x98: {  	s18 =	sld [smem:$0x3FDB];
	_ =	sdelay $0x1  }
0x99: {  	s19 =	simm.s32 $_scs_section_size  }
0x9a: {  	s4 =	simm.s32 $_size__tile_overlayer_lowered;
	s5 =	simm.s32 $_tile_overlayer_lowered  }
0x9b: {  	s22 =	simm.s32 $0x1BFF;
	s21 =	sshll.u32 s5, $0x1;
	s2 =	sadd.s32 s19, s18  }
0x9c: {  	s6 =	simm.s32 $0x0;
	s20 =	sshll.u32 s4, $0x1;
	s4 =	sadd.s32 s21, s2  }
0x9d: {  	[timem:s6], [sflag:s22] =	dma.local [hbm:s4], s20  }
0x9e: {  	_ =	swait.ge [sflag:s22], s20  }
0x9f: {  	s3 =	ssub.s32 $0x0, s20;
	[sflag:s22] =	ssyncset.done $0x0  }
0xa0: {  	[sflag:s22] =	ssyncadd.s32 s3;
	_ =	sdelay $0x1  }
0xa1: {  	s23 =	simm.s32 $0x1B8B  }
0xa2: {  	_ =	swait.ge [sflag:s23], $0x1  }
0xa3: {  	[sflag:s23] =	ssyncset.done $0x0  }
0xa4: {  	s25 =	simm.s32 $0x1B8E;
	s24 =	sld [smem:$0x3FFE];
	[sflag:s23] =	ssyncadd.s32 $0xFFFFFFFF  }
0xa5: {  	s26 =	simm.s32 $execute0_lowered;
	[smem:$0x3FD2] =	sst s25  }
0xa6: {  	s4 =	sshll.u32 s26, $0x1;
	_ =	strace $0x80000049;
	[dreg:$0x1] =	wrdreg $0xFFFFFFFF  }
0xa7: {  	s28 =	simm.s32 $_size_execute0_lowered;
	s2 =	sadd.s32 s2, s4;
	[dreg:$0x0] =	wrdreg $0x0  }
0xa8: {  	s4 =	sshll.u32 s28, $0x1;
	[dreg:$0x2] =	wrdreg s2  }
0xa9: {  	[dreg:$0x3] =	wrdreg s4  }
0xaa: {  	[dreg:$0x4] =	wrdreg $0xC0  }
0xab: {  	_ =	task [dreg:s6], $0x5FFFF  }
0xac: {  	[dreg:$0x1] =	wrdreg $0xFFFFFFFF  }
0xad: {  	[dreg:$0x0] =	wrdreg $0x60  }
0xae: {  	[dreg:$0x2] =	wrdreg s24  }
0xaf: {  	[dreg:$0x3] =	wrdreg $0x9  }
0xb0: {  	_ =	task.clear_ibuf [dreg:s6], $0x4FFFF;
	_ =	strace $0x90000049  }
0xb1: {  	s29 =	simm.s32 $0x9;
	_ =	strace $0x8000004B  }
0xb2: {  	_ =	swait.ge [sflag:s29], $0x1  }
0xb3: {  	[sflag:s29] =	ssyncadd.s32 $0xFFFFFFFF  }
0xb4: {  	_ =	strace $0x9000004B  }
0xb5: {  	_ =	sfence  }
0xb6: {  	s30 =	sld [smem:$0x0];
	_ =	sdelay $0x2  }
0xb7: {  	s31 =	sshll.u32 s1, $0xD;
	s1 =	sshrl.u32 s1, $0x2  }
0xb8: {  	s3 =	sand.u32 $0x4000, s31;
	s1 =	sadd.s32 s1, s30  }
0xb9: {  	s0 =	sor.u32 s3, s0;
	s1 =	sshll.u32 s1, $0x11  }
0xba: {  	s0 =	sor.u32 s1, s0  }
0xbb: {  	s0 =	sadd.s32 $0x8F2B, s0  }
0xbc: {  	[sflag:s0] =	ssyncadd.remote.s32 $0x1  }
0xbd: {  	_ =	sfence.sel $0xFFFF  }
0xbe: {  	[dreg:$0x0] =	wrdreg $0xFFFFFFFF;
	(pc) =	sbr.abs _section_cstart, $3  }
0xbf: {  	[dreg:$0x1] =	wrdreg $0xFFFFFFFF  }
0xc0: {  	_ =	task.clear_ibuf [dreg:s6], $0x2FFFF;
	_ =	strace $0x9FFFFFFF  }
0xc1: {  	(tm) =	ssettm $0x7FFFFFFF  }
tec
execute0_lowered:
.L_overlay_start_1:
0x0: {  	(tag) =	ssettag $0x1  }
0x1: {  	s0 =	rddreg [dreg:$0x0];
	s1 =	simm.s32 $0x0;
	s2 =	srdreg.scid  }
0x2: {  	s5 =	stileid.u32;
	s10 =	simm.s32 $0x3;
	s11 =	simm.s32 $0x800  }
0x3: {  	s12 =	simm.s32 $0x1000;
	s13 =	simm.s32 $0x1800;
	s14 =	simm.s32 $0x2000  }
0x4: {  	s15 =	simm.s32 $0x2800;
	s16 =	simm.s32 $0x3000;
	s17 =	simm.s32 $0x3800  }
0x5: {  	s18 =	simm.s32 $0x2;
	s19 =	simm.s32 $0x4000;
	s20 =	simm.s32 $0x8000  }
0x6: {  	s21 =	simm.s32 $0xC000;
	s22 =	simm.s32 $0x1;
	s23 =	simm.s32 $0x10000  }
0x7: {  	s24 =	simm.s32 $0x14000;
	s25 =	simm.s32 $0x18000;
	s28 =	simm.s32 $0x0  }
0x8: {  	[smem:$0x7FF] =	sst s1;
	s3 =	sadd.s32 $0x6000, s0;
	s4 =	sadd.s32 $0x26400, s0  }
0x9: {  	s2 =	sand.u32 $0x1, s2;
	s6 =	sshll.u32 s5, $0x1;
	s5 =	sadd.s32 $0x20200, s0  }
0xa: {  	_ =	strace $0x8000004A;
	s7 =	sor.u32 s2, s6;
	s2 =	ssub.s32 $0x2, s2  }
0xb: {  	s6 =	sadd.s32 $0x1A000, s0;
	s8 =	sshll.u32 s7, $0x9;
	s9 =	sshrl.u32 s2, $0x1  }
0xc: {  	v0 =	vlaneseq.u32;
	s31 =	sshll.u32 s7, $0x1;
	s8 =	sadd.s32 s8, s0;
	s2 =	ssub.s32 s2, s9  }
0xd: {  	vm0 =	vcmask $0x300;
	v0 =	vmul.u32 $0x8, v0;
	s7 =	sadd.s32 $0x16000, s8;
	s8 =	sadd.s32 s0, s31;
	s9 =	smax.u32 s2, $0x1  }
.LBB2_1:
0xe: {  	[tilespmem:s1], [sflag:$0x3] =	stream.linear.gather [hbm4b:s7+s1], $0x1000, $0x38;
	[tilespmem:$0x1C010] =	vst v63  }
0xf: {  	_ =	swait.ge [sflag:s10], $0x1000  }
0x10: {  	[sflag:s10] =	ssyncset.done $0x0  }
0x11: {  	[sflag:s10] =	ssyncadd.s32 $0xFFFFF000  }
0x12: {  	[tilespmem:s12], [sflag:$0x2] =	stream.indirect.gather [hbm4b:s4+s11], $0x1, s1, s11, $0xb8;
	[tilespmem:$0x1C010] =	vst v63  }
0x13: {  	_ = 	snop  }
0x14: {  	[tilespmem:s13], [sflag:$0x2] =	stream.indirect.gather [hbm4b:s5+s11], $0x1, s1, s11, $0xb8;
	[tilespmem:$0x1C010] =	vst v63  }
0x15: {  	_ = 	snop  }
0x16: {  	[tilespmem:s14], [sflag:$0x2] =	stream.indirect.gather [hbm4b:s6+s11], $0x1, s1, s11, $0xb8;
	[tilespmem:$0x1C010] =	vst v63  }
0x17: {  	_ = 	snop  }
0x18: {  	[tilespmem:s15], [sflag:$0x2] =	stream.indirect.gather [hbm4b:s4+s11], $0x1, s11, s11, $0xb8;
	[tilespmem:$0x1C010] =	vst v63  }
0x19: {  	_ = 	snop  }
0x1a: {  	[tilespmem:s16], [sflag:$0x2] =	stream.indirect.gather [hbm4b:s5+s11], $0x1, s11, s11, $0xb8;
	[tilespmem:$0x1C010] =	vst v63  }
0x1b: {  	_ = 	snop  }
0x1c: {  	[tilespmem:s17], [sflag:$0x2] =	stream.indirect.gather [hbm4b:s6+s11], $0x1, s11, s11, $0xb8;
	[tilespmem:$0x1C010] =	vst v63  }
0x1d: {  	_ =	swait.ge [sflag:s18], $0x800  }
0x1e: {  	[sflag:s18] =	ssyncset.done $0x0  }
0x1f: {  	[sflag:s18] =	ssyncadd.s32 $0xFFFFF800  }
0x20: {  	_ =	swait.ge [sflag:s18], $0x800  }
0x21: {  	[sflag:s18] =	ssyncset.done $0x0  }
0x22: {  	[sflag:s18] =	ssyncadd.s32 $0xFFFFF800  }
0x23: {  	_ =	swait.ge [sflag:s18], $0x800  }
0x24: {  	[sflag:s18] =	ssyncset.done $0x0  }
0x25: {  	[sflag:s18] =	ssyncadd.s32 $0xFFFFF800  }
0x26: {  	_ =	swait.ge [sflag:s18], $0x800  }
0x27: {  	[sflag:s18] =	ssyncset.done $0x0  }
0x28: {  	[sflag:s18] =	ssyncadd.s32 $0xFFFFF800  }
0x29: {  	_ =	swait.ge [sflag:s18], $0x800  }
0x2a: {  	[sflag:s18] =	ssyncset.done $0x0  }
0x2b: {  	[sflag:s18] =	ssyncadd.s32 $0xFFFFF800  }
0x2c: {  	_ =	swait.ge [sflag:s18], $0x800  }
0x2d: {  	[sflag:s18] =	ssyncset.done $0x0  }
0x2e: {  	[sflag:s18] =	ssyncadd.s32 $0xFFFFF800  }
0x2f: {  	[tilespmem:s19], [sflag:$0x1] =	stream.indirect.gather [hbm4b:s3+s11], $0x8, s12, s11, $0xb8;
	[tilespmem:$0x1C010] =	vst v63  }
0x30: {  	_ = 	snop  }
0x31: {  	[tilespmem:s20], [sflag:$0x1] =	stream.indirect.gather [hbm4b:s3+s11], $0x8, s13, s11, $0xb8;
	[tilespmem:$0x1C010] =	vst v63  }
0x32: {  	_ = 	snop  }
0x33: {  	[tilespmem:s21], [sflag:$0x1] =	stream.indirect.gather [hbm4b:s3+s11], $0x8, s14, s11, $0xb8;
	[tilespmem:$0x1C010] =	vst v63  }
0x34: {  	_ =	swait.ge [sflag:s22], $0x4000  }
0x35: {  	[sflag:s22] =	ssyncset.done $0x0  }
0x36: {  	[sflag:s22] =	ssyncadd.s32 $0xFFFFC000  }
0x37: {  	_ =	swait.ge [sflag:s22], $0x4000  }
0x38: {  	[sflag:s22] =	ssyncset.done $0x0  }
0x39: {  	[sflag:s22] =	ssyncadd.s32 $0xFFFFC000  }
0x3a: {  	_ =	swait.ge [sflag:s22], $0x4000  }
0x3b: {  	[sflag:s22] =	ssyncset.done $0x0  }
0x3c: {  	[sflag:s22] =	ssyncadd.s32 $0xFFFFC000  }
0x3d: {  	[tilespmem:s23], [sflag:$0x1] =	stream.indirect.gather [hbm4b:s3+s11], $0x8, s15, s11, $0xb8;
	[tilespmem:$0x1C010] =	vst v63  }
0x3e: {  	_ = 	snop  }
0x3f: {  	[tilespmem:s24], [sflag:$0x1] =	stream.indirect.gather [hbm4b:s3+s11], $0x8, s16, s11, $0xb8;
	[tilespmem:$0x1C010] =	vst v63  }
0x40: {  	s29 =	simm.f32 $0.0e+00;
	s30 =	simm.s32 $0x10;
	s31 =	simm.s32 $0x0  }
0x41: {  	[tilespmem:s25], [sflag:$0x1] =	stream.indirect.gather [hbm4b:s3+s11], $0x8, s17, s11, $0xb8;
	[tilespmem:$0x1C010] =	vst v63  }
.LBB2_2:
0x42: {  	v1 =	vmov s30  }
0x43: {  	v1 =	vshll.u32 v1, $0x3  }
0x44: {  	v2 =	vor.u32 v0, v1;
	_ =	sdelay $0x2  }
0x45: {  	v4 =	vor.u32 $0x1, v2  }
0x46: {  	s0 =	sadd.s32 $0xFFFFFFF0, s30;
	v12 =	vor.u32 $0x2, v2  }
0x47: {  	v1 =	vmov s0;
	v16 =	vld.idx.msk [tilespmem:v2+s20+$0x0], $0xffff  }
0x48: {  	v1 =	vshll.u32 v1, $0x3;
	v19 =	vld.idx.msk [tilespmem:v2+s21+$0x0], $0xffff  }
0x49: {  	v5 =	vor.u32 v0, v1;
	v10 =	vld.idx.msk [tilespmem:v2+s19+$0x0], $0xffff  }
0x4a: {  	v6 =	vor.u32 $0x1, v5;
	v20 =	vld.idx.msk [tilespmem:v4+s20+$0x0], $0xffff  }
0x4b: {  	v11 =	vor.u32 $0x2, v5;
	v7 =	vld.idx.msk [tilespmem:v12+s20+$0x0], $0xffff  }
0x4c: {  	v14 =	vld.idx.msk [tilespmem:v4+s21+$0x0], $0xffff  }
0x4d: {  	v17 =	vld.idx.msk [tilespmem:v12+s21+$0x0], $0xffff  }
0x4e: {  	v18 =	vld.idx.msk [tilespmem:v5+s20+$0x0], $0xffff  }
0x4f: {  	s2 =	sadd.s32 $0x20, s30;
	v21 =	vld.idx.msk [tilespmem:v6+s20+$0x0], $0xffff  }
0x50: {  	v1 =	vmov s2;
	v22 =	vld.idx.msk [tilespmem:v11+s20+$0x0], $0xffff  }
0x51: {  	v1 =	vshll.u32 v1, $0x3;
	v23 =	vld.idx.msk [tilespmem:v6+s21+$0x0], $0xffff  }
0x52: {  	s26 =	sadd.s32 $0xFFFFFFF0, s2;
	v1 =	vor.u32 v0, v1;
	v24 =	vld.idx.msk [tilespmem:v11+s21+$0x0], $0xffff  }
0x53: {  	v3 =	vmov s26;
	v25 =	vld.idx.msk [tilespmem:v5+s21+$0x0], $0xffff  }
0x54: {  	v15 =	vshll.u32 v3, $0x3;
	v2 =	vimm.f32 $0.0e+00;
	v26 =	vld.idx.msk [tilespmem:v5+s19+$0x0], $0xffff  }
0x55: {  	v8 =	vor.u32 $0x2, v1;
	v28 =	vld.idx.msk [tilespmem:v6+s19+$0x0], $0xffff;
	v27 =	vmul.f32 v17, v20;
	v13 =	vmul.f32 v14, v16  }
0x56: {  	v6 =	vor.u32 v0, v15;
	v15 =	vld.idx.msk [tilespmem:v11+s19+$0x0], $0xffff;
	v29 =	vmul.f32 v14, v7;
	v30 =	vmul.f32 v19, v7  }
0x57: {  	v3 =	vor.u32 $0x1, v1;
	v9 =	vld.idx.msk [tilespmem:v1+s20+$0x0], $0xffff;
	v31 =	vmul.f32 v24, v21;
	v32 =	vmul.f32 v23, v22  }
0x58: {  	v5 =	vor.u32 $0x2, v6;
	v14 =	vld.idx.msk [tilespmem:v4+s19+$0x0], $0xffff;
	v4 =	vmul.f32 v25, v22;
	v22 =	vmul.f32 v24, v18  }
0x59: {  	v11 =	vld.idx.msk [tilespmem:v1+s21+$0x0], $0xffff;
	v7 =	vor.u32 $0x1, v6;
	v17 =	vmul.f32 v17, v16;
	v23 =	vmul.f32 v23, v18  }
0x5a: {  	v16 =	vld.idx.msk [tilespmem:v12+s19+$0x0], $0xffff;
	v25 =	vmul.f32 v25, v21;
	v63 =	vsub.f32 v31, v32;
	v22 =	vsub.f32 v4, v22  }
0x5b: {  	v20 =	vmul.f32 v19, v20;
	v12 =	vld.idx.msk [tilespmem:v8+s20+$0x0], $0xffff;
	v18 =	vsub.f32 v27, v29;
	v17 =	vsub.f32 v30, v17  }
0x5c: {  	s0 =	simm.s32 $0x2;
	s2 =	sadd.s32 $0x20, s2;
	v4 =	vld.idx.msk [tilespmem:v3+s20+$0x0], $0xffff;
	v19 =	vmul.f32 v63, v26;
	v21 =	vmul.f32 v22, v28;
	v22 =	vsub.f32 v23, v25  }
.LBB2_3:
0x5d: {  	v23 =	vmov s2;
	v24 =	vld.idx.msk [tilespmem:v3+s21+$0x0], $0xffff;
	v10 =	vmul.f32 v18, v10;
	v13 =	vsub.f32 v13, v20;
	v18 =	vmovc v9;
	v20 =	vmovc v8  }
0x5e: {  	v14 =	vmul.f32 v17, v14;
	v25 =	vld.idx.msk [tilespmem:v8+s21+$0x0], $0xffff;
	v8 =	vadd.f32 v21, v19;
	v9 =	vmul.f32 v22, v15  }
0x5f: {  	v15 =	vshll.u32 v23, $0x3;
	v19 =	vmov v11;
	v17 =	vld.idx.msk [tilespmem:v6+s20+$0x0], $0xffff  }
0x60: {  	v21 =	vld.idx.msk [tilespmem:v7+s20+$0x0], $0xffff;
	v8 =	vadd.f32 v8, v9;
	v9 =	vadd.f32 v14, v10;
	v10 =	vmul.f32 v13, v16  }
0x61: {  	v11 =	vor.u32 v0, v15;
	v16 =	vld.idx.msk [tilespmem:v5+s20+$0x0], $0xffff  }
0x62: {  	v22 =	vld.idx.msk [tilespmem:v7+s21+$0x0], $0xffff;
	v2 =	vadd.f32 v8, v2;
	v8 =	vadd.f32 v9, v10  }
0x63: {  	v23 =	vld.idx.msk [tilespmem:v5+s21+$0x0], $0xffff  }
0x64: {  	s26 =	sadd.s32 $0xFFFFFFF0, s2;
	v26 =	vld.idx.msk [tilespmem:v6+s21+$0x0], $0xffff;
	v2 =	vadd.f32 v8, v2  }
0x65: {  	v8 =	vmov s26;
	v10 =	vld.idx.msk [tilespmem:v1+s19+$0x0], $0xffff;
	v1 =	vmov v11  }
0x66: {  	v14 =	vshll.u32 v8, $0x3;
	v9 =	vld.idx.msk [tilespmem:v11+s20+$0x0], $0xffff  }
0x67: {  	v13 =	vmul.f32 v24, v18;
	v29 =	vmul.f32 v25, v4;
	v27 =	vor.u32 $0x1, v1;
	v28 =	vld.idx.msk [tilespmem:v6+s19+$0x0], $0xffff  }
0x68: {  	s0 =	sadd.s32 $0x2, s0;
	v24 =	vmul.f32 v24, v12;
	v12 =	vmul.f32 v19, v12;
	v8 =	vor.u32 $0x2, v1;
	v30 =	vld.idx.msk [tilespmem:v7+s19+$0x0], $0xffff  }
0x69: {  	p0 =	slt.u32 s0, $0x1E;
	v6 =	vor.u32 v0, v14;
	v32 =	vmul.f32 v22, v16;
	v31 =	vmul.f32 v23, v21;
	v14 =	vld.idx.msk [tilespmem:v3+s19+$0x0], $0xffff  }
.Ltmp0:
0x6a: {  	v7 =	vor.u32 $0x1, v6;
	v23 =	vmul.f32 v23, v17;
	v16 =	vmul.f32 v26, v16;
	v3 =	vmovc v27;
	v15 =	vld.idx.msk [tilespmem:v5+s19+$0x0], $0xffff;
	(pc) =	sbr.rel @p0 .LBB2_3-.Ltmp0, $4  }
0x6b: {  	v22 =	vmul.f32 v22, v17;
	v17 =	vmul.f32 v25, v18;
	v5 =	vor.u32 $0x2, v6;
	v11 =	vld.idx.msk [tilespmem:v11+s21+$0x0], $0xffff  }
0x6c: {  	v26 =	vmul.f32 v26, v21;
	v25 =	vsub.f32 v31, v32;
	v23 =	vsub.f32 v16, v23;
	v16 =	vld.idx.msk [tilespmem:v20+s19+$0x0], $0xffff  }
0x6d: {  	v18 =	vsub.f32 v29, v24;
	v17 =	vsub.f32 v12, v17;
	v20 =	vmul.f32 v19, v4;
	v4 =	vld.idx.msk [tilespmem:v27+s20+$0x0], $0xffff  }
0x6e: {  	s2 =	sadd.s32 $0x20, s2;
	v22 =	vsub.f32 v22, v26;
	v19 =	vmul.f32 v25, v28;
	v21 =	vmul.f32 v23, v30;
	v12 =	vld.idx.msk [tilespmem:v8+s20+$0x0], $0xffff  }
0x6f: {  	_ =	sdelay $0x3  }
0x70: {  	v24 =	vld.idx.msk [tilespmem:v8+s21+$0x0], $0xffff  }
0x71: {  	v25 =	vld.idx.msk [tilespmem:v6+s20+$0x0], $0xffff  }
0x72: {  	v26 =	vld.idx.msk [tilespmem:v7+s20+$0x0], $0xffff  }
0x73: {  	v27 =	vld.idx.msk [tilespmem:v5+s20+$0x0], $0xffff  }
0x74: {  	v28 =	vld.idx.msk [tilespmem:v5+s21+$0x0], $0xffff  }
0x75: {  	v13 =	vsub.f32 v13, v20;
	v45 =	vld.idx.msk [tilespmem:v7+s21+$0x0], $0xffff  }
0x76: {  	v10 =	vmul.f32 v18, v10;
	v46 =	vld.idx.msk [tilespmem:v6+s21+$0x0], $0xffff;
	v14 =	vmul.f32 v17, v14  }
0x77: {  	v23 =	vld.idx.msk [tilespmem:v3+s21+$0x0], $0xffff;
	v15 =	vmul.f32 v22, v15;
	v13 =	vmul.f32 v13, v16  }
0x78: {  	v1 =	vld.idx.msk [tilespmem:v1+s19+$0x0], $0xffff;
	v47 =	vadd.f32 v21, v19;
	v62 =	vmul.f32 v11, v4;
	v59 =	vmul.f32 v11, v12  }
0x79: {  	v50 =	vld.idx.msk [tilespmem:v6+s19+$0x0], $0xffff;
	v48 =	vmul.f32 v24, v4;
	v51 =	vmul.f32 v24, v9  }
0x7a: {  	v53 =	vld.idx.msk [tilespmem:v7+s19+$0x0], $0xffff;
	v15 =	vadd.f32 v47, v15;
	v52 =	vmul.f32 v28, v26;
	v54 =	vmul.f32 v28, v25  }
0x7b: {  	v3 =	vld.idx.msk [tilespmem:v3+s19+$0x0], $0xffff;
	v10 =	vadd.f32 v14, v10;
	v56 =	vmul.f32 v45, v27;
	v57 =	vmul.f32 v46, v27  }
0x7c: {  	v60 =	vld.idx.msk [tilespmem:v5+s19+$0x0], $0xffff;
	v55 =	vmul.f32 v45, v25;
	v2 =	vadd.f32 v15, v2;
	v58 =	vmul.f32 v23, v12  }
0x7d: {  	v18 =	vmul.f32 v46, v26;
	v14 =	vsub.f32 v52, v56;
	v16 =	vsub.f32 v57, v54  }
0x7e: {  	v61 =	vld.idx.msk [tilespmem:v8+s19+$0x0], $0xffff;
	v49 =	vmul.f32 v23, v9;
	v15 =	vsub.f32 v48, v58;
	v9 =	vsub.f32 v59, v51  }
0x7f: {  	v63 =	vsub.f32 v55, v18;
	v6 =	vmul.f32 v14, v50;
	v7 =	vmul.f32 v16, v53  }
0x80: {  	v10 =	vadd.f32 v10, v13;
	v4 =	vsub.f32 v49, v62;
	v1 =	vmul.f32 v15, v1  }
0x81: {  	v5 =	vmul.f32 v63, v60;
	v3 =	vmul.f32 v9, v3;
	v6 =	vadd.f32 v7, v6  }
0x82: {  	v2 =	vadd.f32 v10, v2  }
0x83: {  	v1 =	vadd.f32 v3, v1;
	v3 =	vmul.f32 v4, v61;
	v5 =	vadd.f32 v6, v5;
	_ =	sdelay $0x1  }
0x84: {  	v1 =	vadd.f32 v1, v3;
	v2 =	vadd.f32 v5, v2;
	_ =	sdelay $0x1  }
0x85: {  	v1 =	vadd.f32 v1, v2;
	_ =	sdelay $0x1  }
0x86: {  	(xrf2) =	vadd.scan.msk.f32 $0xffff, v1;
	_ =	sdelay $0x9  }
0x87: {  	v1, _, _ =	vpop (xrf2)  }
0x88: {  	(v2sf) =	vpush v1, $0xF;
	_ =	sdelay $0xa  }
0x89: {  	s31 =	sadd.s32 $0x1, s31  }
0x8a: {  	p0 =	sne.s32 s31, $0x4  }
.Ltmp1:
0x8b: {  	_ = 	snop;
	(pc) =	sbr.rel @p0 .LBB2_2-.Ltmp1, $4  }
0x8c: {  	_ = 	snop  }
0x8d: {  	s0 =	spop (v2sf)  }
0x8e: {  	s0 =	sand.u32 $0x7FFFFFFF, s0  }
0x8f: {  	s30 =	sadd.s32 $0x200, s30;
	s29 =	sadd.f32 s0, s29  }
0x90: {  	_ =	swait.ge [sflag:s22], $0x4000  }
0x91: {  	[sflag:s22] =	ssyncset.done $0x0  }
0x92: {  	[sflag:s22] =	ssyncadd.s32 $0xFFFFC000  }
0x93: {  	_ =	swait.ge [sflag:s22], $0x4000  }
0x94: {  	[sflag:s22] =	ssyncset.done $0x0  }
0x95: {  	[sflag:s22] =	ssyncadd.s32 $0xFFFFC000  }
0x96: {  	_ =	swait.ge [sflag:s22], $0x4000  }
0x97: {  	[sflag:s22] =	ssyncset.done $0x0  }
0x98: {  	s30 =	simm.s32 $0x0;
	s31 =	simm.s32 $0x10;
	[sflag:s22] =	ssyncadd.s32 $0xFFFFC000  }
.LBB2_6:
0x99: {  	v1 =	vmov s31  }
0x9a: {  	v1 =	vshll.u32 v1, $0x3  }
0x9b: {  	v2 =	vor.u32 v0, v1;
	_ =	sdelay $0x2  }
0x9c: {  	v4 =	vor.u32 $0x1, v2  }
0x9d: {  	s0 =	sadd.s32 $0xFFFFFFF0, s31;
	v12 =	vor.u32 $0x2, v2  }
0x9e: {  	v1 =	vmov s0;
	v16 =	vld.idx.msk [tilespmem:v2+s24+$0x0], $0xffff  }
0x9f: {  	v1 =	vshll.u32 v1, $0x3;
	v19 =	vld.idx.msk [tilespmem:v2+s25+$0x0], $0xffff  }
0xa0: {  	v5 =	vor.u32 v0, v1;
	v10 =	vld.idx.msk [tilespmem:v2+s23+$0x0], $0xffff  }
0xa1: {  	v6 =	vor.u32 $0x1, v5;
	v20 =	vld.idx.msk [tilespmem:v4+s24+$0x0], $0xffff  }
0xa2: {  	v11 =	vor.u32 $0x2, v5;
	v7 =	vld.idx.msk [tilespmem:v12+s24+$0x0], $0xffff  }
0xa3: {  	v14 =	vld.idx.msk [tilespmem:v4+s25+$0x0], $0xffff  }
0xa4: {  	v17 =	vld.idx.msk [tilespmem:v12+s25+$0x0], $0xffff  }
0xa5: {  	v18 =	vld.idx.msk [tilespmem:v5+s24+$0x0], $0xffff  }
0xa6: {  	s2 =	sadd.s32 $0x20, s31;
	v21 =	vld.idx.msk [tilespmem:v6+s24+$0x0], $0xffff  }
0xa7: {  	v1 =	vmov s2;
	v22 =	vld.idx.msk [tilespmem:v11+s24+$0x0], $0xffff  }
0xa8: {  	v1 =	vshll.u32 v1, $0x3;
	v23 =	vld.idx.msk [tilespmem:v6+s25+$0x0], $0xffff  }
0xa9: {  	s26 =	sadd.s32 $0xFFFFFFF0, s2;
	v1 =	vor.u32 v0, v1;
	v24 =	vld.idx.msk [tilespmem:v11+s25+$0x0], $0xffff  }
0xaa: {  	v3 =	vmov s26;
	v25 =	vld.idx.msk [tilespmem:v5+s25+$0x0], $0xffff  }
0xab: {  	v15 =	vshll.u32 v3, $0x3;
	v2 =	vimm.f32 $0.0e+00;
	v26 =	vld.idx.msk [tilespmem:v5+s23+$0x0], $0xffff  }
0xac: {  	v8 =	vor.u32 $0x2, v1;
	v28 =	vld.idx.msk [tilespmem:v6+s23+$0x0], $0xffff;
	v27 =	vmul.f32 v17, v20;
	v13 =	vmul.f32 v14, v16  }
0xad: {  	v6 =	vor.u32 v0, v15;
	v15 =	vld.idx.msk [tilespmem:v11+s23+$0x0], $0xffff;
	v29 =	vmul.f32 v14, v7;
	v30 =	vmul.f32 v19, v7  }
0xae: {  	v3 =	vor.u32 $0x1, v1;
	v9 =	vld.idx.msk [tilespmem:v1+s24+$0x0], $0xffff;
	v31 =	vmul.f32 v24, v21;
	v32 =	vmul.f32 v23, v22  }
0xaf: {  	v5 =	vor.u32 $0x2, v6;
	v14 =	vld.idx.msk [tilespmem:v4+s23+$0x0], $0xffff;
	v4 =	vmul.f32 v25, v22;
	v22 =	vmul.f32 v24, v18  }
0xb0: {  	v11 =	vld.idx.msk [tilespmem:v1+s25+$0x0], $0xffff;
	v7 =	vor.u32 $0x1, v6;
	v17 =	vmul.f32 v17, v16;
	v23 =	vmul.f32 v23, v18  }
0xb1: {  	v16 =	vld.idx.msk [tilespmem:v12+s23+$0x0], $0xffff;
	v25 =	vmul.f32 v25, v21;
	v63 =	vsub.f32 v31, v32;
	v22 =	vsub.f32 v4, v22  }
0xb2: {  	v20 =	vmul.f32 v19, v20;
	v12 =	vld.idx.msk [tilespmem:v8+s24+$0x0], $0xffff;
	v18 =	vsub.f32 v27, v29;
	v17 =	vsub.f32 v30, v17  }
0xb3: {  	s0 =	simm.s32 $0x2;
	s2 =	sadd.s32 $0x20, s2;
	v4 =	vld.idx.msk [tilespmem:v3+s24+$0x0], $0xffff;
	v19 =	vmul.f32 v63, v26;
	v21 =	vmul.f32 v22, v28;
	v22 =	vsub.f32 v23, v25  }
.LBB2_7:
0xb4: {  	v23 =	vmov s2;
	v24 =	vld.idx.msk [tilespmem:v3+s25+$0x0], $0xffff;
	v10 =	vmul.f32 v18, v10;
	v13 =	vsub.f32 v13, v20;
	v18 =	vmovc v9;
	v20 =	vmovc v8  }
0xb5: {  	v14 =	vmul.f32 v17, v14;
	v25 =	vld.idx.msk [tilespmem:v8+s25+$0x0], $0xffff;
	v8 =	vadd.f32 v21, v19;
	v9 =	vmul.f32 v22, v15  }
0xb6: {  	v15 =	vshll.u32 v23, $0x3;
	v19 =	vmov v11;
	v17 =	vld.idx.msk [tilespmem:v6+s24+$0x0], $0xffff  }
0xb7: {  	v21 =	vld.idx.msk [tilespmem:v7+s24+$0x0], $0xffff;
	v8 =	vadd.f32 v8, v9;
	v9 =	vadd.f32 v14, v10;
	v10 =	vmul.f32 v13, v16  }
0xb8: {  	v11 =	vor.u32 v0, v15;
	v16 =	vld.idx.msk [tilespmem:v5+s24+$0x0], $0xffff  }
0xb9: {  	v22 =	vld.idx.msk [tilespmem:v7+s25+$0x0], $0xffff;
	v2 =	vadd.f32 v8, v2;
	v8 =	vadd.f32 v9, v10  }
0xba: {  	v23 =	vld.idx.msk [tilespmem:v5+s25+$0x0], $0xffff  }
0xbb: {  	s26 =	sadd.s32 $0xFFFFFFF0, s2;
	v26 =	vld.idx.msk [tilespmem:v6+s25+$0x0], $0xffff;
	v2 =	vadd.f32 v8, v2  }
0xbc: {  	v8 =	vmov s26;
	v10 =	vld.idx.msk [tilespmem:v1+s23+$0x0], $0xffff;
	v1 =	vmov v11  }
0xbd: {  	v14 =	vshll.u32 v8, $0x3;
	v9 =	vld.idx.msk [tilespmem:v11+s24+$0x0], $0xffff  }
0xbe: {  	v13 =	vmul.f32 v24, v18;
	v29 =	vmul.f32 v25, v4;
	v27 =	vor.u32 $0x1, v1;
	v28 =	vld.idx.msk [tilespmem:v6+s23+$0x0], $0xffff  }
0xbf: {  	s0 =	sadd.s32 $0x2, s0;
	v24 =	vmul.f32 v24, v12;
	v12 =	vmul.f32 v19, v12;
	v8 =	vor.u32 $0x2, v1;
	v30 =	vld.idx.msk [tilespmem:v7+s23+$0x0], $0xffff  }
0xc0: {  	p0 =	slt.u32 s0, $0x1E;
	v6 =	vor.u32 v0, v14;
	v32 =	vmul.f32 v22, v16;
	v31 =	vmul.f32 v23, v21;
	v14 =	vld.idx.msk [tilespmem:v3+s23+$0x0], $0xffff  }
.Ltmp2:
0xc1: {  	v7 =	vor.u32 $0x1, v6;
	v23 =	vmul.f32 v23, v17;
	v16 =	vmul.f32 v26, v16;
	v3 =	vmovc v27;
	v15 =	vld.idx.msk [tilespmem:v5+s23+$0x0], $0xffff;
	(pc) =	sbr.rel @p0 .LBB2_7-.Ltmp2, $4  }
0xc2: {  	v22 =	vmul.f32 v22, v17;
	v17 =	vmul.f32 v25, v18;
	v5 =	vor.u32 $0x2, v6;
	v11 =	vld.idx.msk [tilespmem:v11+s25+$0x0], $0xffff  }
0xc3: {  	v26 =	vmul.f32 v26, v21;
	v25 =	vsub.f32 v31, v32;
	v23 =	vsub.f32 v16, v23;
	v16 =	vld.idx.msk [tilespmem:v20+s23+$0x0], $0xffff  }
0xc4: {  	v18 =	vsub.f32 v29, v24;
	v17 =	vsub.f32 v12, v17;
	v20 =	vmul.f32 v19, v4;
	v4 =	vld.idx.msk [tilespmem:v27+s24+$0x0], $0xffff  }
0xc5: {  	s2 =	sadd.s32 $0x20, s2;
	v22 =	vsub.f32 v22, v26;
	v19 =	vmul.f32 v25, v28;
	v21 =	vmul.f32 v23, v30;
	v12 =	vld.idx.msk [tilespmem:v8+s24+$0x0], $0xffff  }
0xc6: {  	_ =	sdelay $0x3  }
0xc7: {  	v24 =	vld.idx.msk [tilespmem:v8+s25+$0x0], $0xffff  }
0xc8: {  	v25 =	vld.idx.msk [tilespmem:v6+s24+$0x0], $0xffff  }
0xc9: {  	v26 =	vld.idx.msk [tilespmem:v7+s24+$0x0], $0xffff  }
0xca: {  	v27 =	vld.idx.msk [tilespmem:v5+s24+$0x0], $0xffff  }
0xcb: {  	v28 =	vld.idx.msk [tilespmem:v5+s25+$0x0], $0xffff  }
0xcc: {  	v13 =	vsub.f32 v13, v20;
	v45 =	vld.idx.msk [tilespmem:v7+s25+$0x0], $0xffff  }
0xcd: {  	v10 =	vmul.f32 v18, v10;
	v46 =	vld.idx.msk [tilespmem:v6+s25+$0x0], $0xffff;
	v14 =	vmul.f32 v17, v14  }
0xce: {  	v23 =	vld.idx.msk [tilespmem:v3+s25+$0x0], $0xffff;
	v15 =	vmul.f32 v22, v15;
	v13 =	vmul.f32 v13, v16  }
0xcf: {  	v1 =	vld.idx.msk [tilespmem:v1+s23+$0x0], $0xffff;
	v47 =	vadd.f32 v21, v19;
	v62 =	vmul.f32 v11, v4;
	v59 =	vmul.f32 v11, v12  }
0xd0: {  	v50 =	vld.idx.msk [tilespmem:v6+s23+$0x0], $0xffff;
	v48 =	vmul.f32 v24, v4;
	v51 =	vmul.f32 v24, v9  }
0xd1: {  	v53 =	vld.idx.msk [tilespmem:v7+s23+$0x0], $0xffff;
	v15 =	vadd.f32 v47, v15;
	v52 =	vmul.f32 v28, v26;
	v54 =	vmul.f32 v28, v25  }
0xd2: {  	v3 =	vld.idx.msk [tilespmem:v3+s23+$0x0], $0xffff;
	v10 =	vadd.f32 v14, v10;
	v56 =	vmul.f32 v45, v27;
	v57 =	vmul.f32 v46, v27  }
0xd3: {  	v60 =	vld.idx.msk [tilespmem:v5+s23+$0x0], $0xffff;
	v55 =	vmul.f32 v45, v25;
	v2 =	vadd.f32 v15, v2;
	v58 =	vmul.f32 v23, v12  }
0xd4: {  	v18 =	vmul.f32 v46, v26;
	v14 =	vsub.f32 v52, v56;
	v16 =	vsub.f32 v57, v54  }
0xd5: {  	v61 =	vld.idx.msk [tilespmem:v8+s23+$0x0], $0xffff;
	v49 =	vmul.f32 v23, v9;
	v15 =	vsub.f32 v48, v58;
	v9 =	vsub.f32 v59, v51  }
0xd6: {  	v63 =	vsub.f32 v55, v18;
	v6 =	vmul.f32 v14, v50;
	v7 =	vmul.f32 v16, v53  }
0xd7: {  	v10 =	vadd.f32 v10, v13;
	v4 =	vsub.f32 v49, v62;
	v1 =	vmul.f32 v15, v1  }
0xd8: {  	v5 =	vmul.f32 v63, v60;
	v3 =	vmul.f32 v9, v3;
	v6 =	vadd.f32 v7, v6  }
0xd9: {  	v2 =	vadd.f32 v10, v2  }
0xda: {  	v1 =	vadd.f32 v3, v1;
	v3 =	vmul.f32 v4, v61;
	v5 =	vadd.f32 v6, v5;
	_ =	sdelay $0x1  }
0xdb: {  	v1 =	vadd.f32 v1, v3;
	v2 =	vadd.f32 v5, v2;
	_ =	sdelay $0x1  }
0xdc: {  	v1 =	vadd.f32 v1, v2;
	_ =	sdelay $0x1  }
0xdd: {  	(xrf2) =	vadd.scan.msk.f32 $0xffff, v1;
	_ =	sdelay $0x9  }
0xde: {  	v1, _, _ =	vpop (xrf2)  }
0xdf: {  	(v2sf) =	vpush v1, $0xF;
	_ =	sdelay $0xa  }
0xe0: {  	s30 =	sadd.s32 $0x1, s30  }
0xe1: {  	p0 =	sne.s32 s30, $0x4  }
.Ltmp3:
0xe2: {  	_ = 	snop;
	(pc) =	sbr.rel @p0 .LBB2_6-.Ltmp3, $4  }
0xe3: {  	_ = 	snop  }
0xe4: {  	s0 =	spop (v2sf)  }
0xe5: {  	s0 =	sand.u32 $0x7FFFFFFF, s0  }
0xe6: {  	s31 =	sadd.s32 $0x200, s31;
	s29 =	sadd.f32 s0, s29  }
0xe7: {  	_ = 	snop  }
0xe8: {  	s0 =	smul.f32 $1.000000000e+03, s29;
	_ =	sdelay $0x1  }
0xe9: {  	s28 =	sadd.s32 $0x1, s28;
	v1 =	vmov s0  }
0xea: {  	p0 =	sne.s32 s28, s9;
	v1 =	vnsel vm0, $0x0, v1  }
.Ltmp4:
0xeb: {  	s31 =	simm.s32 $0x1C000;
	[tilespmem:$0x1C000] =	vst v1;
	(pc) =	sbr.rel @p0 .LBB2_1-.Ltmp4, $4  }
0xec: {  	[hbm4b:s8+s1] =	stream.linear.scatter [tilespmem:s31], [sflag:$0x3], $0x10, $0x38;
	[tilespmem:$0x1C010] =	vst v63  }
0xed: {  	_ =	swait.ge [sflag:s10], $0x10  }
0xee: {  	[sflag:s10] =	ssyncset.done $0x0  }
0xef: {  	[sflag:s10] =	ssyncadd.s32 $0xFFFFFFF0  }
0xf0: {  	_ =	sfence.sel $0x180000  }
0xf1: {  	[bflag:$0x0] =	sbarrier.arrive $0xFFFF  }
0xf2: {  	_ =	strace $0x9000004A  }
0xf3: {  	s0 =	stileid.u32;
	[bflag:$0x2] =	sbarrier.arrive $0xFFFF  }
0xf4: {  	p0 =	sne.s32 s0, $0x0;
	s0 =	rddreg [dreg:$0x1]  }
0xf5: {  	s0 =	sadd.s32 @!p0 $0x100000, s0  }
0xf6: {  	[sflag:s0] =	ssyncadd.tile.s32 @!p0 $0x1;
	_ =	shalt  }
.Lfunc_end2:
_tile_overlayer_lowered:
.L_overlay_start_2:
0xf7: {  	(tag) =	ssettag $0x2  }
0xf8: {  	s0 =	rddreg [dreg:$0x0];
	s2 =	stileid.u32  }
0xf9: {  	s1 =	rddreg [dreg:$0x1];
	p0 =	sne.s32 s2, $0x0  }
0xfa: {  	s3 =	rddreg [dreg:$0x2];
	[bflag:$0x3] =	sbarrier.arrive $0xFFFF;
	s2 =	simm.s32 @!p0 $0x1C03  }
0xfb: {  	[timem:s3], [sflag:s2] =	dma.local @!p0 [hbm:s0], s1  }
0xfc: {  	s0 =	simm.s32 @!p0 $0x3  }
0xfd: {  	_ =	swait.ge @!p0 [sflag:s0], s1  }
0xfe: {  	s1 =	ssub.s32 @!p0 $0x0, s1;
	[sflag:s0] =	ssyncset.done @!p0 $0x0  }
0xff: {  	[sflag:s0] =	ssyncadd.s32 @!p0 s1  }
0x100: {  	[bflag:$0x3] =	sbarrier.arrive $0xFFFF  }
0x101: {  	_ =	shalt  }

</sc_bundles>
